<compile_context>
chip_gen: v7x
topology: tpu7x:2x2x1
jax: 0.10.2.dev20260603
libtpu: 0.0.44.dev20260713+nightly
codegen_flags: <defaults>
</compile_context>

<pallas_src>
import jax
import jax.numpy as jnp
from jax import lax
from jax.experimental import pallas as pl
from jax.experimental.pallas import tpu as pltpu
from jax.experimental.pallas import tpu_sc as plsc

B, C, H, W = 128, 768, 14, 14
HW = H * W
E, TOPK = 16, 2

KB = 28
NSTEP = HW // KB

NW = 32
RPW = B // NW


def _pool_body(x_ref, w1_ref, b1_ref, w2_ref, b2_ref, noise_ref,
               n_out, s_ref, m_ref):
    k = pl.program_id(0)
    xb = x_ref[...]
    ps = jnp.sum(xb, axis=0)
    pm = jnp.max(xb, axis=0)

    @pl.when(k == 0)
    def _init():
        s_ref[...] = ps
        m_ref[...] = pm

    @pl.when(k > 0)
    def _acc():
        s_ref[...] += ps
        m_ref[...] = jnp.maximum(m_ref[...], pm)

    @pl.when(k == NSTEP - 1)
    def _finish():
        f = s_ref[...] * (1.0 / HW) + m_ref[...]
        fb = f.astype(jnp.bfloat16)
        dn = (((1,), (1,)), ((), ()))
        z1 = lax.dot_general(
            fb, w1_ref[...].astype(jnp.bfloat16), dimension_numbers=dn,
            preferred_element_type=jnp.float32,
        ) + b1_ref[...]
        z2 = lax.dot_general(
            fb, w2_ref[...].astype(jnp.bfloat16), dimension_numbers=dn,
            preferred_element_type=jnp.float32,
        ) + b2_ref[...]
        nz = noise_ref[...].T
        n_out[...] = z1 + nz * jax.nn.softplus(z2)


def _argmax16(vals, iota):
    v, i = vals, iota
    for step in (8, 4, 2, 1):
        perm = jnp.bitwise_xor(iota, step)
        vp = v.at[perm].get(mode="promise_in_bounds")
        ip = i.at[perm].get(mode="promise_in_bounds")
        take = (vp > v) | ((vp == v) & (ip < i))
        v = jnp.where(take, vp, v)
        i = jnp.where(take, ip, i)
    return v, i


def _route_body(n_hbm, w_hbm, idx_hbm, rows_v, wv, idxv):
    wid = lax.axis_index("s") * 2 + lax.axis_index("c")
    base = wid * RPW
    pltpu.sync_copy(n_hbm.at[pl.ds(base, RPW)], rows_v)
    iota = jax.lax.iota(jnp.int32, E)
    idx_pack = jnp.zeros((E,), jnp.int32)
    for j in range(RPW):
        row = rows_v[j, :]
        v1, i1 = _argmax16(row, iota)
        masked = jnp.where(iota == i1, -jnp.inf, row)
        v2, i2 = _argmax16(masked, iota)
        e2 = jnp.exp(v2 - v1)
        denom = 1.0 + e2
        wrow = jnp.where(iota == i1, 1.0 / denom,
                         jnp.where(iota == i2, e2 / denom, 0.0))
        wv[j, :] = wrow
        idx_pack = jnp.where(iota == 2 * j, i1, idx_pack)
        idx_pack = jnp.where(iota == 2 * j + 1, i2, idx_pack)
    idxv[...] = idx_pack
    pltpu.sync_copy(wv, w_hbm.at[pl.ds(base, RPW)])
    pltpu.sync_copy(idxv.at[pl.ds(0, TOPK * RPW)],
                    idx_hbm.at[pl.ds(TOPK * base, TOPK * RPW)])


@jax.jit
def kernel(x, w1_w, w1_b, w2_w, w2_b, noise):
    xt = jnp.transpose(x, (2, 3, 0, 1)).reshape(HW, B, C)

    n = pl.pallas_call(
        _pool_body,
        grid=(NSTEP,),
        in_specs=[
            pl.BlockSpec((KB, B, C), lambda k: (k, 0, 0)),
            pl.BlockSpec((E, C), lambda k: (0, 0)),
            pl.BlockSpec((1, E), lambda k: (0, 0)),
            pl.BlockSpec((E, C), lambda k: (0, 0)),
            pl.BlockSpec((1, E), lambda k: (0, 0)),
            pl.BlockSpec((E, B), lambda k: (0, 0)),
        ],
        out_specs=pl.BlockSpec((B, E), lambda k: (0, 0)),
        out_shape=jax.ShapeDtypeStruct((B, E), jnp.float32),
        scratch_shapes=[
            pltpu.VMEM((B, C), jnp.float32),
            pltpu.VMEM((B, C), jnp.float32),
        ],
    )(xt, w1_w, w1_b.reshape(1, E), w2_w, w2_b.reshape(1, E), noise.T)

    mesh = plsc.VectorSubcoreMesh(core_axis_name="c", subcore_axis_name="s")
    w, idx_flat = pl.kernel(
        _route_body,
        mesh=mesh,
        out_type=[
            jax.ShapeDtypeStruct((B, E), jnp.float32),
            jax.ShapeDtypeStruct((B * TOPK,), jnp.int32),
        ],
        scratch_types=[
            pltpu.VMEM((RPW, E), jnp.float32),
            pltpu.VMEM((RPW, E), jnp.float32),
            pltpu.VMEM((E,), jnp.int32),
        ],
    )(n)
    return (w, idx_flat.reshape(B, TOPK))

# --- scband reference (transcript-rebuilt; emitter-appended) ---
"""Pipeline reference for scband-expert-gate-57389353009760 (READ-ONLY COPY).

The authoritative reference and input builder live on the scoring server;
editing this copy changes nothing except your own understanding.
"""

import jax, jax.numpy as jnp
import numpy as np

B, C, H, W = 128, 768, 14, 14
E, TOPK = 16, 2

def setup_inputs(seed: int = 0) -> dict:
    key = jax.random.key(seed)
    ks = jax.random.split(key, 4)
    x = jax.random.normal(ks[0], (B, C, H, W), dtype=jnp.float32)
    w1_w = jax.random.normal(ks[1], (E, C), dtype=jnp.float32) * (1.0 / np.sqrt(C))
    w1_b = jnp.zeros((E,), dtype=jnp.float32)
    w2_w = jax.random.normal(ks[2], (E, C), dtype=jnp.float32) * (1.0 / np.sqrt(C))
    w2_b = jnp.zeros((E,), dtype=jnp.float32)
    noise = jax.random.normal(ks[3], (B, E), dtype=jnp.float32)
    return {"x": x, "w1_w": w1_w, "w1_b": w1_b, "w2_w": w2_w, "w2_b": w2_b, "noise": noise}

def reference(x, w1_w, w1_b, w2_w, w2_b, noise):
    b = x.shape[0]
    avg_feat = jnp.mean(x, axis=(2, 3))            # [B, C]  AdaptiveAvgPool2d(1)
    max_feat = jnp.max(x, axis=(2, 3))             # [B, C]  AdaptiveMaxPool2d(1)
    f = avg_feat + max_feat                        # [B, C]
    n1 = f @ w1_w.T + w1_b                         # [B, E]
    n2 = noise * jax.nn.softplus(f @ w2_w.T + w2_b)
    n = n1 + n2
    topk_val, topk_idx = jax.lax.top_k(n, TOPK)    # [B, k]
    mask = jnp.full_like(n, -jnp.inf)
    rows = jnp.arange(b)[:, None]
    mask = mask.at[rows, topk_idx].set(topk_val)
    w = jax.nn.softmax(mask, axis=-1)
    return (w, topk_idx)

if __name__ == "__main__":
    import jax
    _d = setup_inputs()
    print(jax.jit(kernel)(*tuple(_d.values())))

</pallas_src>

<mosaic_0001>
#map = affine_map<(d0, d1) -> (0, 0)>
#map1 = affine_map<(d0, d1) -> (0)>
module attributes {stable_mosaic.version = 14 : i64} {
  func.func @_route_body(%arg0: i32, %arg1: i32, %arg2: memref<128x16xf32, #tpu.memory_space<hbm>>, %arg3: memref<128x16xf32, #tpu.memory_space<hbm>>, %arg4: memref<256xi32, #tpu.memory_space<hbm>>, %arg5: memref<4x16xf32, #tpu.memory_space<vmem>>, %arg6: memref<4x16xf32, #tpu.memory_space<vmem>>, %arg7: memref<16xi32, #tpu.memory_space<vmem>>) attributes {dimension_semantics = [#tpu.dimension_semantics<core_parallel>, #tpu.dimension_semantics<subcore_parallel>], iteration_bounds = array<i64: 2, 16>, scalar_prefetch = 0 : i64, scratch_operands = 3 : i64, tpu.core_type = #tpu.core_type<sc_vector_subcore>, window_params = [{transform_indices = #map}, {transform_indices = #map}, {transform_indices = #map1}]} {
    %mul3A = arith.constant 2 : i32
    %mul3A_0 = arith.muli %arg1, %mul3A : i32
    %add3A = arith.addi %mul3A_0, %arg0 : i32
    %mul3A_1 = arith.constant 4 : i32
    %mul3A_2 = arith.muli %add3A, %mul3A_1 : i32
    "tpu.region"() ({
      %run_scoped3A = tpu.sem_alloc : memref<!tpu.dma_semaphore, #tpu.memory_space<semaphore_mem>>
      %dma_start3A = arith.constant 0 : i32
      %dma_start3A_1108 = tpu.memref_slice %arg2[%mul3A_2, %dma_start3A] : memref<128x16xf32, #tpu.memory_space<hbm>> -> memref<4x16xf32, #tpu.memory_space<hbm>>
      %dma_start3A_1109 = arith.constant 0 : i32
      %dma_start3A_1110 = tpu.memref_slice %arg2[%mul3A_2, %dma_start3A_1109] : memref<128x16xf32, #tpu.memory_space<hbm>> -> memref<4x16xf32, #tpu.memory_space<hbm>>
      tpu.enqueue_dma source(%dma_start3A_1110 : memref<4x16xf32, #tpu.memory_space<hbm>>) target(%arg5 : memref<4x16xf32, #tpu.memory_space<vmem>>) target_semaphore(%run_scoped3A : memref<!tpu.dma_semaphore, #tpu.memory_space<semaphore_mem>>)
      %dma_wait3A = arith.constant 0 : i32
      %dma_wait3A_1111 = tpu.memref_slice %arg2[%mul3A_2, %dma_wait3A] : memref<128x16xf32, #tpu.memory_space<hbm>> -> memref<4x16xf32, #tpu.memory_space<hbm>>
      %dma_wait3A_1112 = arith.constant 0 : i32
      %dma_wait3A_1113 = tpu.memref_slice %arg2[%mul3A_2, %dma_wait3A_1112] : memref<128x16xf32, #tpu.memory_space<hbm>> -> memref<4x16xf32, #tpu.memory_space<hbm>>
      tpu.wait_dma2 semaphore(%run_scoped3A : memref<!tpu.dma_semaphore, #tpu.memory_space<semaphore_mem>>) src(%dma_wait3A_1113 : memref<4x16xf32, #tpu.memory_space<hbm>>) dst(%arg5 : memref<4x16xf32, #tpu.memory_space<vmem>>)
      tpu.yield
    }) : () -> ()
    %iota3A = tpu.iota {dimensions = array<i32: 0>} : vector<16xi32>
    %broadcast_in_dim3A = arith.constant 0 : i32
    %broadcast_in_dim3A_3 = vector.broadcast %broadcast_in_dim3A : i32 to vector<16xi32>
    %get3A = arith.constant 0 : i32
    %get3A_4 = arith.index_cast %get3A : i32 to index
    %get3A_5 = arith.constant 0 : index
    %get3A_6 = tpu.vector_load %arg5[%get3A_4, %get3A_5] {strides = array<i32>} : memref<4x16xf32, #tpu.memory_space<vmem>>, vector<1x16xf32>,
    %get3A_7 = vector.shape_cast %get3A_6 : vector<1x16xf32> to vector<16xf32>
    %xor3A = arith.constant 8 : i32
    %xor3A_8 = vector.broadcast %xor3A : i32 to vector<16xi32>
    %xor3A_9 = arith.xori %iota3A, %xor3A_8 : vector<16xi32>
    %lt3A = arith.constant 0 : i32
    %lt3A_10 = vector.broadcast %lt3A : i32 to vector<16xi32>
    %lt3A_11 = arith.cmpi slt, %xor3A_9, %lt3A_10 : vector<16xi32>
    %add3A_12 = arith.constant 16 : i32
    %add3A_13 = vector.broadcast %add3A_12 : i32 to vector<16xi32>
    %add3A_14 = arith.addi %xor3A_9, %add3A_13 : vector<16xi32>
    %select_n3A = arith.select %lt3A_11, %add3A_14, %xor3A_9 : vector<16xi1>, vector<16xi32>
    %broadcast_in_dim3A_15 = vector.shape_cast %select_n3A : vector<16xi32> to vector<16x1xi32>
    %gather3A = vector.shape_cast %broadcast_in_dim3A_15 : vector<16x1xi32> to vector<16xi32>
    %gather3A_16 = tpu.dynamic_gather %get3A_7[%gather3A] in [0] : vector<16xf32>, vector<16xi32> -> vector<16xf32>
    %lt3A_17 = arith.constant 0 : i32
    %lt3A_18 = vector.broadcast %lt3A_17 : i32 to vector<16xi32>
    %lt3A_19 = arith.cmpi slt, %xor3A_9, %lt3A_18 : vector<16xi32>
    %add3A_20 = arith.constant 16 : i32
    %add3A_21 = vector.broadcast %add3A_20 : i32 to vector<16xi32>
    %add3A_22 = arith.addi %xor3A_9, %add3A_21 : vector<16xi32>
    %select_n3A_23 = arith.select %lt3A_19, %add3A_22, %xor3A_9 : vector<16xi1>, vector<16xi32>
    %broadcast_in_dim3A_24 = vector.shape_cast %select_n3A_23 : vector<16xi32> to vector<16x1xi32>
    %gather3A_25 = vector.shape_cast %broadcast_in_dim3A_24 : vector<16x1xi32> to vector<16xi32>
    %gather3A_26 = tpu.dynamic_gather %iota3A[%gather3A_25] in [0] : vector<16xi32>, vector<16xi32> -> vector<16xi32>
    %gt3A = arith.cmpf ogt, %gather3A_16, %get3A_7 : vector<16xf32>
    %eq3A = arith.cmpf oeq, %gather3A_16, %get3A_7 : vector<16xf32>
    %lt3A_27 = arith.cmpi slt, %gather3A_26, %iota3A : vector<16xi32>
    %and3A = arith.andi %eq3A, %lt3A_27 : vector<16xi1>
    %or3A = arith.ori %gt3A, %and3A : vector<16xi1>
    %select_n3A_28 = arith.select %or3A, %gather3A_16, %get3A_7 : vector<16xi1>, vector<16xf32>
    %select_n3A_29 = arith.select %or3A, %gather3A_26, %iota3A : vector<16xi1>, vector<16xi32>
    %xor3A_30 = arith.constant 4 : i32
    %xor3A_31 = vector.broadcast %xor3A_30 : i32 to vector<16xi32>
    %xor3A_32 = arith.xori %iota3A, %xor3A_31 : vector<16xi32>
    %lt3A_33 = arith.constant 0 : i32
    %lt3A_34 = vector.broadcast %lt3A_33 : i32 to vector<16xi32>
    %lt3A_35 = arith.cmpi slt, %xor3A_32, %lt3A_34 : vector<16xi32>
    %add3A_36 = arith.constant 16 : i32
    %add3A_37 = vector.broadcast %add3A_36 : i32 to vector<16xi32>
    %add3A_38 = arith.addi %xor3A_32, %add3A_37 : vector<16xi32>
    %select_n3A_39 = arith.select %lt3A_35, %add3A_38, %xor3A_32 : vector<16xi1>, vector<16xi32>
    %broadcast_in_dim3A_40 = vector.shape_cast %select_n3A_39 : vector<16xi32> to vector<16x1xi32>
    %gather3A_41 = vector.shape_cast %broadcast_in_dim3A_40 : vector<16x1xi32> to vector<16xi32>
    %gather3A_42 = tpu.dynamic_gather %select_n3A_28[%gather3A_41] in [0] : vector<16xf32>, vector<16xi32> -> vector<16xf32>
    %lt3A_43 = arith.constant 0 : i32
    %lt3A_44 = vector.broadcast %lt3A_43 : i32 to vector<16xi32>
    %lt3A_45 = arith.cmpi slt, %xor3A_32, %lt3A_44 : vector<16xi32>
    %add3A_46 = arith.constant 16 : i32
    %add3A_47 = vector.broadcast %add3A_46 : i32 to vector<16xi32>
    %add3A_48 = arith.addi %xor3A_32, %add3A_47 : vector<16xi32>
    %select_n3A_49 = arith.select %lt3A_45, %add3A_48, %xor3A_32 : vector<16xi1>, vector<16xi32>
    %broadcast_in_dim3A_50 = vector.shape_cast %select_n3A_49 : vector<16xi32> to vector<16x1xi32>
    %gather3A_51 = vector.shape_cast %broadcast_in_dim3A_50 : vector<16x1xi32> to vector<16xi32>
    %gather3A_52 = tpu.dynamic_gather %select_n3A_29[%gather3A_51] in [0] : vector<16xi32>, vector<16xi32> -> vector<16xi32>
    %gt3A_53 = arith.cmpf ogt, %gather3A_42, %select_n3A_28 : vector<16xf32>
    %eq3A_54 = arith.cmpf oeq, %gather3A_42, %select_n3A_28 : vector<16xf32>
    %lt3A_55 = arith.cmpi slt, %gather3A_52, %select_n3A_29 : vector<16xi32>
    %and3A_56 = arith.andi %eq3A_54, %lt3A_55 : vector<16xi1>
    %or3A_57 = arith.ori %gt3A_53, %and3A_56 : vector<16xi1>
    %select_n3A_58 = arith.select %or3A_57, %gather3A_42, %select_n3A_28 : vector<16xi1>, vector<16xf32>
    %select_n3A_59 = arith.select %or3A_57, %gather3A_52, %select_n3A_29 : vector<16xi1>, vector<16xi32>
    %xor3A_60 = arith.constant 2 : i32
    %xor3A_61 = vector.broadcast %xor3A_60 : i32 to vector<16xi32>
    %xor3A_62 = arith.xori %iota3A, %xor3A_61 : vector<16xi32>
    %lt3A_63 = arith.constant 0 : i32
    %lt3A_64 = vector.broadcast %lt3A_63 : i32 to vector<16xi32>
    %lt3A_65 = arith.cmpi slt, %xor3A_62, %lt3A_64 : vector<16xi32>
    %add3A_66 = arith.constant 16 : i32
    %add3A_67 = vector.broadcast %add3A_66 : i32 to vector<16xi32>
    %add3A_68 = arith.addi %xor3A_62, %add3A_67 : vector<16xi32>
    %select_n3A_69 = arith.select %lt3A_65, %add3A_68, %xor3A_62 : vector<16xi1>, vector<16xi32>
    %broadcast_in_dim3A_70 = vector.shape_cast %select_n3A_69 : vector<16xi32> to vector<16x1xi32>
    %gather3A_71 = vector.shape_cast %broadcast_in_dim3A_70 : vector<16x1xi32> to vector<16xi32>
    %gather3A_72 = tpu.dynamic_gather %select_n3A_58[%gather3A_71] in [0] : vector<16xf32>, vector<16xi32> -> vector<16xf32>
    %lt3A_73 = arith.constant 0 : i32
    %lt3A_74 = vector.broadcast %lt3A_73 : i32 to vector<16xi32>
    %lt3A_75 = arith.cmpi slt, %xor3A_62, %lt3A_74 : vector<16xi32>
    %add3A_76 = arith.constant 16 : i32
    %add3A_77 = vector.broadcast %add3A_76 : i32 to vector<16xi32>
    %add3A_78 = arith.addi %xor3A_62, %add3A_77 : vector<16xi32>
    %select_n3A_79 = arith.select %lt3A_75, %add3A_78, %xor3A_62 : vector<16xi1>, vector<16xi32>
    %broadcast_in_dim3A_80 = vector.shape_cast %select_n3A_79 : vector<16xi32> to vector<16x1xi32>
    %gather3A_81 = vector.shape_cast %broadcast_in_dim3A_80 : vector<16x1xi32> to vector<16xi32>
    %gather3A_82 = tpu.dynamic_gather %select_n3A_59[%gather3A_81] in [0] : vector<16xi32>, vector<16xi32> -> vector<16xi32>
    %gt3A_83 = arith.cmpf ogt, %gather3A_72, %select_n3A_58 : vector<16xf32>
    %eq3A_84 = arith.cmpf oeq, %gather3A_72, %select_n3A_58 : vector<16xf32>
    %lt3A_85 = arith.cmpi slt, %gather3A_82, %select_n3A_59 : vector<16xi32>
    %and3A_86 = arith.andi %eq3A_84, %lt3A_85 : vector<16xi1>
    %or3A_87 = arith.ori %gt3A_83, %and3A_86 : vector<16xi1>
    %select_n3A_88 = arith.select %or3A_87, %gather3A_72, %select_n3A_58 : vector<16xi1>, vector<16xf32>
    %select_n3A_89 = arith.select %or3A_87, %gather3A_82, %select_n3A_59 : vector<16xi1>, vector<16xi32>
    %xor3A_90 = arith.constant 1 : i32
    %xor3A_91 = vector.broadcast %xor3A_90 : i32 to vector<16xi32>
    %xor3A_92 = arith.xori %iota3A, %xor3A_91 : vector<16xi32>
    %lt3A_93 = arith.constant 0 : i32
    %lt3A_94 = vector.broadcast %lt3A_93 : i32 to vector<16xi32>
    %lt3A_95 = arith.cmpi slt, %xor3A_92, %lt3A_94 : vector<16xi32>
    %add3A_96 = arith.constant 16 : i32
    %add3A_97 = vector.broadcast %add3A_96 : i32 to vector<16xi32>
    %add3A_98 = arith.addi %xor3A_92, %add3A_97 : vector<16xi32>
    %select_n3A_99 = arith.select %lt3A_95, %add3A_98, %xor3A_92 : vector<16xi1>, vector<16xi32>
    %broadcast_in_dim3A_100 = vector.shape_cast %select_n3A_99 : vector<16xi32> to vector<16x1xi32>
    %gather3A_101 = vector.shape_cast %broadcast_in_dim3A_100 : vector<16x1xi32> to vector<16xi32>
    %gather3A_102 = tpu.dynamic_gather %select_n3A_88[%gather3A_101] in [0] : vector<16xf32>, vector<16xi32> -> vector<16xf32>
    %lt3A_103 = arith.constant 0 : i32
    %lt3A_104 = vector.broadcast %lt3A_103 : i32 to vector<16xi32>
    %lt3A_105 = arith.cmpi slt, %xor3A_92, %lt3A_104 : vector<16xi32>
    %add3A_106 = arith.constant 16 : i32
    %add3A_107 = vector.broadcast %add3A_106 : i32 to vector<16xi32>
    %add3A_108 = arith.addi %xor3A_92, %add3A_107 : vector<16xi32>
    %select_n3A_109 = arith.select %lt3A_105, %add3A_108, %xor3A_92 : vector<16xi1>, vector<16xi32>
    %broadcast_in_dim3A_110 = vector.shape_cast %select_n3A_109 : vector<16xi32> to vector<16x1xi32>
    %gather3A_111 = vector.shape_cast %broadcast_in_dim3A_110 : vector<16x1xi32> to vector<16xi32>
    %gather3A_112 = tpu.dynamic_gather %select_n3A_89[%gather3A_111] in [0] : vector<16xi32>, vector<16xi32> -> vector<16xi32>
    %gt3A_113 = arith.cmpf ogt, %gather3A_102, %select_n3A_88 : vector<16xf32>
    %eq3A_114 = arith.cmpf oeq, %gather3A_102, %select_n3A_88 : vector<16xf32>
    %lt3A_115 = arith.cmpi slt, %gather3A_112, %select_n3A_89 : vector<16xi32>
    %and3A_116 = arith.andi %eq3A_114, %lt3A_115 : vector<16xi1>
    %or3A_117 = arith.ori %gt3A_113, %and3A_116 : vector<16xi1>
    %select_n3A_118 = arith.select %or3A_117, %gather3A_102, %select_n3A_88 : vector<16xi1>, vector<16xf32>
    %select_n3A_119 = arith.select %or3A_117, %gather3A_112, %select_n3A_89 : vector<16xi1>, vector<16xi32>
    %eq3A_120 = arith.cmpi eq, %iota3A, %select_n3A_119 : vector<16xi32>
    %jit3A = arith.constant 0xFF800000 : f32
    %broadcast_in_dim3A_121 = vector.broadcast %jit3A : f32 to vector<16xf32>
    %select_n3A_122 = arith.select %eq3A_120, %broadcast_in_dim3A_121, %get3A_7 : vector<16xi1>, vector<16xf32>
    %xor3A_123 = arith.constant 8 : i32
    %xor3A_124 = vector.broadcast %xor3A_123 : i32 to vector<16xi32>
    %xor3A_125 = arith.xori %iota3A, %xor3A_124 : vector<16xi32>
    %lt3A_126 = arith.constant 0 : i32
    %lt3A_127 = vector.broadcast %lt3A_126 : i32 to vector<16xi32>
    %lt3A_128 = arith.cmpi slt, %xor3A_125, %lt3A_127 : vector<16xi32>
    %add3A_129 = arith.constant 16 : i32
    %add3A_130 = vector.broadcast %add3A_129 : i32 to vector<16xi32>
    %add3A_131 = arith.addi %xor3A_125, %add3A_130 : vector<16xi32>
    %select_n3A_132 = arith.select %lt3A_128, %add3A_131, %xor3A_125 : vector<16xi1>, vector<16xi32>
    %broadcast_in_dim3A_133 = vector.shape_cast %select_n3A_132 : vector<16xi32> to vector<16x1xi32>
    %gather3A_134 = vector.shape_cast %broadcast_in_dim3A_133 : vector<16x1xi32> to vector<16xi32>
    %gather3A_135 = tpu.dynamic_gather %select_n3A_122[%gather3A_134] in [0] : vector<16xf32>, vector<16xi32> -> vector<16xf32>
    %lt3A_136 = arith.constant 0 : i32
    %lt3A_137 = vector.broadcast %lt3A_136 : i32 to vector<16xi32>
    %lt3A_138 = arith.cmpi slt, %xor3A_125, %lt3A_137 : vector<16xi32>
    %add3A_139 = arith.constant 16 : i32
    %add3A_140 = vector.broadcast %add3A_139 : i32 to vector<16xi32>
    %add3A_141 = arith.addi %xor3A_125, %add3A_140 : vector<16xi32>
    %select_n3A_142 = arith.select %lt3A_138, %add3A_141, %xor3A_125 : vector<16xi1>, vector<16xi32>
    %broadcast_in_dim3A_143 = vector.shape_cast %select_n3A_142 : vector<16xi32> to vector<16x1xi32>
    %gather3A_144 = vector.shape_cast %broadcast_in_dim3A_143 : vector<16x1xi32> to vector<16xi32>
    %gather3A_145 = tpu.dynamic_gather %iota3A[%gather3A_144] in [0] : vector<16xi32>, vector<16xi32> -> vector<16xi32>
    %gt3A_146 = arith.cmpf ogt, %gather3A_135, %select_n3A_122 : vector<16xf32>
    %eq3A_147 = arith.cmpf oeq, %gather3A_135, %select_n3A_122 : vector<16xf32>
    %lt3A_148 = arith.cmpi slt, %gather3A_145, %iota3A : vector<16xi32>
    %and3A_149 = arith.andi %eq3A_147, %lt3A_148 : vector<16xi1>
    %or3A_150 = arith.ori %gt3A_146, %and3A_149 : vector<16xi1>
    %select_n3A_151 = arith.select %or3A_150, %gather3A_135, %select_n3A_122 : vector<16xi1>, vector<16xf32>
    %select_n3A_152 = arith.select %or3A_150, %gather3A_145, %iota3A : vector<16xi1>, vector<16xi32>
    %xor3A_153 = arith.constant 4 : i32
    %xor3A_154 = vector.broadcast %xor3A_153 : i32 to vector<16xi32>
    %xor3A_155 = arith.xori %iota3A, %xor3A_154 : vector<16xi32>
    %lt3A_156 = arith.constant 0 : i32
    %lt3A_157 = vector.broadcast %lt3A_156 : i32 to vector<16xi32>
    %lt3A_158 = arith.cmpi slt, %xor3A_155, %lt3A_157 : vector<16xi32>
    %add3A_159 = arith.constant 16 : i32
    %add3A_160 = vector.broadcast %add3A_159 : i32 to vector<16xi32>
    %add3A_161 = arith.addi %xor3A_155, %add3A_160 : vector<16xi32>
    %select_n3A_162 = arith.select %lt3A_158, %add3A_161, %xor3A_155 : vector<16xi1>, vector<16xi32>
    %broadcast_in_dim3A_163 = vector.shape_cast %select_n3A_162 : vector<16xi32> to vector<16x1xi32>
    %gather3A_164 = vector.shape_cast %broadcast_in_dim3A_163 : vector<16x1xi32> to vector<16xi32>
    %gather3A_165 = tpu.dynamic_gather %select_n3A_151[%gather3A_164] in [0] : vector<16xf32>, vector<16xi32> -> vector<16xf32>
    %lt3A_166 = arith.constant 0 : i32
    %lt3A_167 = vector.broadcast %lt3A_166 : i32 to vector<16xi32>
    %lt3A_168 = arith.cmpi slt, %xor3A_155, %lt3A_167 : vector<16xi32>
    %add3A_169 = arith.constant 16 : i32
    %add3A_170 = vector.broadcast %add3A_169 : i32 to vector<16xi32>
    %add3A_171 = arith.addi %xor3A_155, %add3A_170 : vector<16xi32>
    %select_n3A_172 = arith.select %lt3A_168, %add3A_171, %xor3A_155 : vector<16xi1>, vector<16xi32>
    %broadcast_in_dim3A_173 = vector.shape_cast %select_n3A_172 : vector<16xi32> to vector<16x1xi32>
    %gather3A_174 = vector.shape_cast %broadcast_in_dim3A_173 : vector<16x1xi32> to vector<16xi32>
    %gather3A_175 = tpu.dynamic_gather %select_n3A_152[%gather3A_174] in [0] : vector<16xi32>, vector<16xi32> -> vector<16xi32>
    %gt3A_176 = arith.cmpf ogt, %gather3A_165, %select_n3A_151 : vector<16xf32>
    %eq3A_177 = arith.cmpf oeq, %gather3A_165, %select_n3A_151 : vector<16xf32>
    %lt3A_178 = arith.cmpi slt, %gather3A_175, %select_n3A_152 : vector<16xi32>
    %and3A_179 = arith.andi %eq3A_177, %lt3A_178 : vector<16xi1>
    %or3A_180 = arith.ori %gt3A_176, %and3A_179 : vector<16xi1>
    %select_n3A_181 = arith.select %or3A_180, %gather3A_165, %select_n3A_151 : vector<16xi1>, vector<16xf32>
    %select_n3A_182 = arith.select %or3A_180, %gather3A_175, %select_n3A_152 : vector<16xi1>, vector<16xi32>
    %xor3A_183 = arith.constant 2 : i32
    %xor3A_184 = vector.broadcast %xor3A_183 : i32 to vector<16xi32>
    %xor3A_185 = arith.xori %iota3A, %xor3A_184 : vector<16xi32>
    %lt3A_186 = arith.constant 0 : i32
    %lt3A_187 = vector.broadcast %lt3A_186 : i32 to vector<16xi32>
    %lt3A_188 = arith.cmpi slt, %xor3A_185, %lt3A_187 : vector<16xi32>
    %add3A_189 = arith.constant 16 : i32
    %add3A_190 = vector.broadcast %add3A_189 : i32 to vector<16xi32>
    %add3A_191 = arith.addi %xor3A_185, %add3A_190 : vector<16xi32>
    %select_n3A_192 = arith.select %lt3A_188, %add3A_191, %xor3A_185 : vector<16xi1>, vector<16xi32>
    %broadcast_in_dim3A_193 = vector.shape_cast %select_n3A_192 : vector<16xi32> to vector<16x1xi32>
    %gather3A_194 = vector.shape_cast %broadcast_in_dim3A_193 : vector<16x1xi32> to vector<16xi32>
    %gather3A_195 = tpu.dynamic_gather %select_n3A_181[%gather3A_194] in [0] : vector<16xf32>, vector<16xi32> -> vector<16xf32>
    %lt3A_196 = arith.constant 0 : i32
    %lt3A_197 = vector.broadcast %lt3A_196 : i32 to vector<16xi32>
    %lt3A_198 = arith.cmpi slt, %xor3A_185, %lt3A_197 : vector<16xi32>
    %add3A_199 = arith.constant 16 : i32
    %add3A_200 = vector.broadcast %add3A_199 : i32 to vector<16xi32>
    %add3A_201 = arith.addi %xor3A_185, %add3A_200 : vector<16xi32>
    %select_n3A_202 = arith.select %lt3A_198, %add3A_201, %xor3A_185 : vector<16xi1>, vector<16xi32>
    %broadcast_in_dim3A_203 = vector.shape_cast %select_n3A_202 : vector<16xi32> to vector<16x1xi32>
    %gather3A_204 = vector.shape_cast %broadcast_in_dim3A_203 : vector<16x1xi32> to vector<16xi32>
    %gather3A_205 = tpu.dynamic_gather %select_n3A_182[%gather3A_204] in [0] : vector<16xi32>, vector<16xi32> -> vector<16xi32>
    %gt3A_206 = arith.cmpf ogt, %gather3A_195, %select_n3A_181 : vector<16xf32>
    %eq3A_207 = arith.cmpf oeq, %gather3A_195, %select_n3A_181 : vector<16xf32>
    %lt3A_208 = arith.cmpi slt, %gather3A_205, %select_n3A_182 : vector<16xi32>
    %and3A_209 = arith.andi %eq3A_207, %lt3A_208 : vector<16xi1>
    %or3A_210 = arith.ori %gt3A_206, %and3A_209 : vector<16xi1>
    %select_n3A_211 = arith.select %or3A_210, %gather3A_195, %select_n3A_181 : vector<16xi1>, vector<16xf32>
    %select_n3A_212 = arith.select %or3A_210, %gather3A_205, %select_n3A_182 : vector<16xi1>, vector<16xi32>
    %xor3A_213 = arith.constant 1 : i32
    %xor3A_214 = vector.broadcast %xor3A_213 : i32 to vector<16xi32>
    %xor3A_215 = arith.xori %iota3A, %xor3A_214 : vector<16xi32>
    %lt3A_216 = arith.constant 0 : i32
    %lt3A_217 = vector.broadcast %lt3A_216 : i32 to vector<16xi32>
    %lt3A_218 = arith.cmpi slt, %xor3A_215, %lt3A_217 : vector<16xi32>
    %add3A_219 = arith.constant 16 : i32
    %add3A_220 = vector.broadcast %add3A_219 : i32 to vector<16xi32>
    %add3A_221 = arith.addi %xor3A_215, %add3A_220 : vector<16xi32>
    %select_n3A_222 = arith.select %lt3A_218, %add3A_221, %xor3A_215 : vector<16xi1>, vector<16xi32>
    %broadcast_in_dim3A_223 = vector.shape_cast %select_n3A_222 : vector<16xi32> to vector<16x1xi32>
    %gather3A_224 = vector.shape_cast %broadcast_in_dim3A_223 : vector<16x1xi32> to vector<16xi32>
    %gather3A_225 = tpu.dynamic_gather %select_n3A_211[%gather3A_224] in [0] : vector<16xf32>, vector<16xi32> -> vector<16xf32>
    %lt3A_226 = arith.constant 0 : i32
    %lt3A_227 = vector.broadcast %lt3A_226 : i32 to vector<16xi32>
    %lt3A_228 = arith.cmpi slt, %xor3A_215, %lt3A_227 : vector<16xi32>
    %add3A_229 = arith.constant 16 : i32
    %add3A_230 = vector.broadcast %add3A_229 : i32 to vector<16xi32>
    %add3A_231 = arith.addi %xor3A_215, %add3A_230 : vector<16xi32>
    %select_n3A_232 = arith.select %lt3A_228, %add3A_231, %xor3A_215 : vector<16xi1>, vector<16xi32>
    %broadcast_in_dim3A_233 = vector.shape_cast %select_n3A_232 : vector<16xi32> to vector<16x1xi32>
    %gather3A_234 = vector.shape_cast %broadcast_in_dim3A_233 : vector<16x1xi32> to vector<16xi32>
    %gather3A_235 = tpu.dynamic_gather %select_n3A_212[%gather3A_234] in [0] : vector<16xi32>, vector<16xi32> -> vector<16xi32>
    %gt3A_236 = arith.cmpf ogt, %gather3A_225, %select_n3A_211 : vector<16xf32>
    %eq3A_237 = arith.cmpf oeq, %gather3A_225, %select_n3A_211 : vector<16xf32>
    %lt3A_238 = arith.cmpi slt, %gather3A_235, %select_n3A_212 : vector<16xi32>
    %and3A_239 = arith.andi %eq3A_237, %lt3A_238 : vector<16xi1>
    %or3A_240 = arith.ori %gt3A_236, %and3A_239 : vector<16xi1>
    %select_n3A_241 = arith.select %or3A_240, %gather3A_225, %select_n3A_211 : vector<16xi1>, vector<16xf32>
    %select_n3A_242 = arith.select %or3A_240, %gather3A_235, %select_n3A_212 : vector<16xi1>, vector<16xi32>
    %sub3A = arith.subf %select_n3A_241, %select_n3A_118 : vector<16xf32>
    %exp3A = math.exp %sub3A : vector<16xf32>
    %add3A_243 = arith.constant 1.000000e+00 : f32
    %add3A_244 = vector.broadcast %add3A_243 : f32 to vector<16xf32>
    %add3A_245 = arith.addf %add3A_244, %exp3A : vector<16xf32>
    %eq3A_246 = arith.cmpi eq, %iota3A, %select_n3A_119 : vector<16xi32>
    %div3A = arith.constant 1.000000e+00 : f32
    %div3A_247 = vector.broadcast %div3A : f32 to vector<16xf32>
    %div3A_248 = arith.divf %div3A_247, %add3A_245 : vector<16xf32>
    %eq3A_249 = arith.cmpi eq, %iota3A, %select_n3A_242 : vector<16xi32>
    %div3A_250 = arith.divf %exp3A, %add3A_245 : vector<16xf32>
    %jit3A_251 = arith.constant 0.000000e+00 : f32
    %broadcast_in_dim3A_252 = vector.broadcast %jit3A_251 : f32 to vector<16xf32>
    %select_n3A_253 = arith.select %eq3A_249, %div3A_250, %broadcast_in_dim3A_252 : vector<16xi1>, vector<16xf32>
    %select_n3A_254 = arith.select %eq3A_246, %div3A_248, %select_n3A_253 : vector<16xi1>, vector<16xf32>
    %swap3A = arith.constant 0 : i32
    %swap3A_255 = arith.index_cast %swap3A : i32 to index
    %swap3A_256 = arith.constant 0 : index
    %swap3A_257 = tpu.vector_load %arg6[%swap3A_255, %swap3A_256] {strides = array<i32>} : memref<4x16xf32, #tpu.memory_space<vmem>>, vector<1x16xf32>,
    %swap3A_258 = vector.shape_cast %swap3A_257 : vector<1x16xf32> to vector<16xf32>
    %swap3A_259 = vector.shape_cast %select_n3A_254 : vector<16xf32> to vector<1x16xf32>
    tpu.vector_store %arg6[%swap3A_255, %swap3A_256], %swap3A_259 {strides = array<i32>} : memref<4x16xf32, #tpu.memory_space<vmem>>, vector<1x16xf32>,
    %eq3A_260 = arith.constant 0 : i32
    %eq3A_261 = vector.broadcast %eq3A_260 : i32 to vector<16xi32>
    %eq3A_262 = arith.cmpi eq, %iota3A, %eq3A_261 : vector<16xi32>
    %select_n3A_263 = arith.select %eq3A_262, %select_n3A_119, %broadcast_in_dim3A_3 : vector<16xi1>, vector<16xi32>
    %eq3A_264 = arith.constant 1 : i32
    %eq3A_265 = vector.broadcast %eq3A_264 : i32 to vector<16xi32>
    %eq3A_266 = arith.cmpi eq, %iota3A, %eq3A_265 : vector<16xi32>
    %select_n3A_267 = arith.select %eq3A_266, %select_n3A_242, %select_n3A_263 : vector<16xi1>, vector<16xi32>
    %get3A_268 = arith.constant 1 : i32
    %get3A_269 = arith.index_cast %get3A_268 : i32 to index
    %get3A_270 = arith.constant 0 : index
    %get3A_271 = tpu.vector_load %arg5[%get3A_269, %get3A_270] {strides = array<i32>} : memref<4x16xf32, #tpu.memory_space<vmem>>, vector<1x16xf32>,
    %get3A_272 = vector.shape_cast %get3A_271 : vector<1x16xf32> to vector<16xf32>
    %xor3A_273 = arith.constant 8 : i32
    %xor3A_274 = vector.broadcast %xor3A_273 : i32 to vector<16xi32>
    %xor3A_275 = arith.xori %iota3A, %xor3A_274 : vector<16xi32>
    %lt3A_276 = arith.constant 0 : i32
    %lt3A_277 = vector.broadcast %lt3A_276 : i32 to vector<16xi32>
    %lt3A_278 = arith.cmpi slt, %xor3A_275, %lt3A_277 : vector<16xi32>
    %add3A_279 = arith.constant 16 : i32
    %add3A_280 = vector.broadcast %add3A_279 : i32 to vector<16xi32>
    %add3A_281 = arith.addi %xor3A_275, %add3A_280 : vector<16xi32>
    %select_n3A_282 = arith.select %lt3A_278, %add3A_281, %xor3A_275 : vector<16xi1>, vector<16xi32>
    %broadcast_in_dim3A_283 = vector.shape_cast %select_n3A_282 : vector<16xi32> to vector<16x1xi32>
    %gather3A_284 = vector.shape_cast %broadcast_in_dim3A_283 : vector<16x1xi32> to vector<16xi32>
    %gather3A_285 = tpu.dynamic_gather %get3A_272[%gather3A_284] in [0] : vector<16xf32>, vector<16xi32> -> vector<16xf32>
    %lt3A_286 = arith.constant 0 : i32
    %lt3A_287 = vector.broadcast %lt3A_286 : i32 to vector<16xi32>
    %lt3A_288 = arith.cmpi slt, %xor3A_275, %lt3A_287 : vector<16xi32>
    %add3A_289 = arith.constant 16 : i32
    %add3A_290 = vector.broadcast %add3A_289 : i32 to vector<16xi32>
    %add3A_291 = arith.addi %xor3A_275, %add3A_290 : vector<16xi32>
    %select_n3A_292 = arith.select %lt3A_288, %add3A_291, %xor3A_275 : vector<16xi1>, vector<16xi32>
    %broadcast_in_dim3A_293 = vector.shape_cast %select_n3A_292 : vector<16xi32> to vector<16x1xi32>
    %gather3A_294 = vector.shape_cast %broadcast_in_dim3A_293 : vector<16x1xi32> to vector<16xi32>
    %gather3A_295 = tpu.dynamic_gather %iota3A[%gather3A_294] in [0] : vector<16xi32>, vector<16xi32> -> vector<16xi32>
    %gt3A_296 = arith.cmpf ogt, %gather3A_285, %get3A_272 : vector<16xf32>
    %eq3A_297 = arith.cmpf oeq, %gather3A_285, %get3A_272 : vector<16xf32>
    %lt3A_298 = arith.cmpi slt, %gather3A_295, %iota3A : vector<16xi32>
    %and3A_299 = arith.andi %eq3A_297, %lt3A_298 : vector<16xi1>
    %or3A_300 = arith.ori %gt3A_296, %and3A_299 : vector<16xi1>
    %select_n3A_301 = arith.select %or3A_300, %gather3A_285, %get3A_272 : vector<16xi1>, vector<16xf32>
    %select_n3A_302 = arith.select %or3A_300, %gather3A_295, %iota3A : vector<16xi1>, vector<16xi32>
    %xor3A_303 = arith.constant 4 : i32
    %xor3A_304 = vector.broadcast %xor3A_303 : i32 to vector<16xi32>
    %xor3A_305 = arith.xori %iota3A, %xor3A_304 : vector<16xi32>
    %lt3A_306 = arith.constant 0 : i32
    %lt3A_307 = vector.broadcast %lt3A_306 : i32 to vector<16xi32>
    %lt3A_308 = arith.cmpi slt, %xor3A_305, %lt3A_307 : vector<16xi32>
    %add3A_309 = arith.constant 16 : i32
    %add3A_310 = vector.broadcast %add3A_309 : i32 to vector<16xi32>
    %add3A_311 = arith.addi %xor3A_305, %add3A_310 : vector<16xi32>
    %select_n3A_312 = arith.select %lt3A_308, %add3A_311, %xor3A_305 : vector<16xi1>, vector<16xi32>
    %broadcast_in_dim3A_313 = vector.shape_cast %select_n3A_312 : vector<16xi32> to vector<16x1xi32>
    %gather3A_314 = vector.shape_cast %broadcast_in_dim3A_313 : vector<16x1xi32> to vector<16xi32>
    %gather3A_315 = tpu.dynamic_gather %select_n3A_301[%gather3A_314] in [0] : vector<16xf32>, vector<16xi32> -> vector<16xf32>
    %lt3A_316 = arith.constant 0 : i32
    %lt3A_317 = vector.broadcast %lt3A_316 : i32 to vector<16xi32>
    %lt3A_318 = arith.cmpi slt, %xor3A_305, %lt3A_317 : vector<16xi32>
    %add3A_319 = arith.constant 16 : i32
    %add3A_320 = vector.broadcast %add3A_319 : i32 to vector<16xi32>
    %add3A_321 = arith.addi %xor3A_305, %add3A_320 : vector<16xi32>
    %select_n3A_322 = arith.select %lt3A_318, %add3A_321, %xor3A_305 : vector<16xi1>, vector<16xi32>
    %broadcast_in_dim3A_323 = vector.shape_cast %select_n3A_322 : vector<16xi32> to vector<16x1xi32>
    %gather3A_324 = vector.shape_cast %broadcast_in_dim3A_323 : vector<16x1xi32> to vector<16xi32>
    %gather3A_325 = tpu.dynamic_gather %select_n3A_302[%gather3A_324] in [0] : vector<16xi32>, vector<16xi32> -> vector<16xi32>
    %gt3A_326 = arith.cmpf ogt, %gather3A_315, %select_n3A_301 : vector<16xf32>
    %eq3A_327 = arith.cmpf oeq, %gather3A_315, %select_n3A_301 : vector<16xf32>
    %lt3A_328 = arith.cmpi slt, %gather3A_325, %select_n3A_302 : vector<16xi32>
    %and3A_329 = arith.andi %eq3A_327, %lt3A_328 : vector<16xi1>
    %or3A_330 = arith.ori %gt3A_326, %and3A_329 : vector<16xi1>
    %select_n3A_331 = arith.select %or3A_330, %gather3A_315, %select_n3A_301 : vector<16xi1>, vector<16xf32>
    %select_n3A_332 = arith.select %or3A_330, %gather3A_325, %select_n3A_302 : vector<16xi1>, vector<16xi32>
    %xor3A_333 = arith.constant 2 : i32
    %xor3A_334 = vector.broadcast %xor3A_333 : i32 to vector<16xi32>
    %xor3A_335 = arith.xori %iota3A, %xor3A_334 : vector<16xi32>
    %lt3A_336 = arith.constant 0 : i32
    %lt3A_337 = vector.broadcast %lt3A_336 : i32 to vector<16xi32>
    %lt3A_338 = arith.cmpi slt, %xor3A_335, %lt3A_337 : vector<16xi32>
    %add3A_339 = arith.constant 16 : i32
    %add3A_340 = vector.broadcast %add3A_339 : i32 to vector<16xi32>
    %add3A_341 = arith.addi %xor3A_335, %add3A_340 : vector<16xi32>
    %select_n3A_342 = arith.select %lt3A_338, %add3A_341, %xor3A_335 : vector<16xi1>, vector<16xi32>
    %broadcast_in_dim3A_343 = vector.shape_cast %select_n3A_342 : vector<16xi32> to vector<16x1xi32>
    %gather3A_344 = vector.shape_cast %broadcast_in_dim3A_343 : vector<16x1xi32> to vector<16xi32>
    %gather3A_345 = tpu.dynamic_gather %select_n3A_331[%gather3A_344] in [0] : vector<16xf32>, vector<16xi32> -> vector<16xf32>
    %lt3A_346 = arith.constant 0 : i32
    %lt3A_347 = vector.broadcast %lt3A_346 : i32 to vector<16xi32>
    %lt3A_348 = arith.cmpi slt, %xor3A_335, %lt3A_347 : vector<16xi32>
    %add3A_349 = arith.constant 16 : i32
    %add3A_350 = vector.broadcast %add3A_349 : i32 to vector<16xi32>
    %add3A_351 = arith.addi %xor3A_335, %add3A_350 : vector<16xi32>
    %select_n3A_352 = arith.select %lt3A_348, %add3A_351, %xor3A_335 : vector<16xi1>, vector<16xi32>
    %broadcast_in_dim3A_353 = vector.shape_cast %select_n3A_352 : vector<16xi32> to vector<16x1xi32>
    %gather3A_354 = vector.shape_cast %broadcast_in_dim3A_353 : vector<16x1xi32> to vector<16xi32>
    %gather3A_355 = tpu.dynamic_gather %select_n3A_332[%gather3A_354] in [0] : vector<16xi32>, vector<16xi32> -> vector<16xi32>
    %gt3A_356 = arith.cmpf ogt, %gather3A_345, %select_n3A_331 : vector<16xf32>
    %eq3A_357 = arith.cmpf oeq, %gather3A_345, %select_n3A_331 : vector<16xf32>
    %lt3A_358 = arith.cmpi slt, %gather3A_355, %select_n3A_332 : vector<16xi32>
    %and3A_359 = arith.andi %eq3A_357, %lt3A_358 : vector<16xi1>
    %or3A_360 = arith.ori %gt3A_356, %and3A_359 : vector<16xi1>
    %select_n3A_361 = arith.select %or3A_360, %gather3A_345, %select_n3A_331 : vector<16xi1>, vector<16xf32>
    %select_n3A_362 = arith.select %or3A_360, %gather3A_355, %select_n3A_332 : vector<16xi1>, vector<16xi32>
    %xor3A_363 = arith.constant 1 : i32
    %xor3A_364 = vector.broadcast %xor3A_363 : i32 to vector<16xi32>
    %xor3A_365 = arith.xori %iota3A, %xor3A_364 : vector<16xi32>
    %lt3A_366 = arith.constant 0 : i32
    %lt3A_367 = vector.broadcast %lt3A_366 : i32 to vector<16xi32>
    %lt3A_368 = arith.cmpi slt, %xor3A_365, %lt3A_367 : vector<16xi32>
    %add3A_369 = arith.constant 16 : i32
    %add3A_370 = vector.broadcast %add3A_369 : i32 to vector<16xi32>
    %add3A_371 = arith.addi %xor3A_365, %add3A_370 : vector<16xi32>
    %select_n3A_372 = arith.select %lt3A_368, %add3A_371, %xor3A_365 : vector<16xi1>, vector<16xi32>
    %broadcast_in_dim3A_373 = vector.shape_cast %select_n3A_372 : vector<16xi32> to vector<16x1xi32>
    %gather3A_374 = vector.shape_cast %broadcast_in_dim3A_373 : vector<16x1xi32> to vector<16xi32>
    %gather3A_375 = tpu.dynamic_gather %select_n3A_361[%gather3A_374] in [0] : vector<16xf32>, vector<16xi32> -> vector<16xf32>
    %lt3A_376 = arith.constant 0 : i32
    %lt3A_377 = vector.broadcast %lt3A_376 : i32 to vector<16xi32>
    %lt3A_378 = arith.cmpi slt, %xor3A_365, %lt3A_377 : vector<16xi32>
    %add3A_379 = arith.constant 16 : i32
    %add3A_380 = vector.broadcast %add3A_379 : i32 to vector<16xi32>
    %add3A_381 = arith.addi %xor3A_365, %add3A_380 : vector<16xi32>
    %select_n3A_382 = arith.select %lt3A_378, %add3A_381, %xor3A_365 : vector<16xi1>, vector<16xi32>
    %broadcast_in_dim3A_383 = vector.shape_cast %select_n3A_382 : vector<16xi32> to vector<16x1xi32>
    %gather3A_384 = vector.shape_cast %broadcast_in_dim3A_383 : vector<16x1xi32> to vector<16xi32>
    %gather3A_385 = tpu.dynamic_gather %select_n3A_362[%gather3A_384] in [0] : vector<16xi32>, vector<16xi32> -> vector<16xi32>
    %gt3A_386 = arith.cmpf ogt, %gather3A_375, %select_n3A_361 : vector<16xf32>
    %eq3A_387 = arith.cmpf oeq, %gather3A_375, %select_n3A_361 : vector<16xf32>
    %lt3A_388 = arith.cmpi slt, %gather3A_385, %select_n3A_362 : vector<16xi32>
    %and3A_389 = arith.andi %eq3A_387, %lt3A_388 : vector<16xi1>
    %or3A_390 = arith.ori %gt3A_386, %and3A_389 : vector<16xi1>
    %select_n3A_391 = arith.select %or3A_390, %gather3A_375, %select_n3A_361 : vector<16xi1>, vector<16xf32>
    %select_n3A_392 = arith.select %or3A_390, %gather3A_385, %select_n3A_362 : vector<16xi1>, vector<16xi32>
    %eq3A_393 = arith.cmpi eq, %iota3A, %select_n3A_392 : vector<16xi32>
    %jit3A_394 = arith.constant 0xFF800000 : f32
    %broadcast_in_dim3A_395 = vector.broadcast %jit3A_394 : f32 to vector<16xf32>
    %select_n3A_396 = arith.select %eq3A_393, %broadcast_in_dim3A_395, %get3A_272 : vector<16xi1>, vector<16xf32>
    %xor3A_397 = arith.constant 8 : i32
    %xor3A_398 = vector.broadcast %xor3A_397 : i32 to vector<16xi32>
    %xor3A_399 = arith.xori %iota3A, %xor3A_398 : vector<16xi32>
    %lt3A_400 = arith.constant 0 : i32
    %lt3A_401 = vector.broadcast %lt3A_400 : i32 to vector<16xi32>
    %lt3A_402 = arith.cmpi slt, %xor3A_399, %lt3A_401 : vector<16xi32>
    %add3A_403 = arith.constant 16 : i32
    %add3A_404 = vector.broadcast %add3A_403 : i32 to vector<16xi32>
    %add3A_405 = arith.addi %xor3A_399, %add3A_404 : vector<16xi32>
    %select_n3A_406 = arith.select %lt3A_402, %add3A_405, %xor3A_399 : vector<16xi1>, vector<16xi32>
    %broadcast_in_dim3A_407 = vector.shape_cast %select_n3A_406 : vector<16xi32> to vector<16x1xi32>
    %gather3A_408 = vector.shape_cast %broadcast_in_dim3A_407 : vector<16x1xi32> to vector<16xi32>
    %gather3A_409 = tpu.dynamic_gather %select_n3A_396[%gather3A_408] in [0] : vector<16xf32>, vector<16xi32> -> vector<16xf32>
    %lt3A_410 = arith.constant 0 : i32
    %lt3A_411 = vector.broadcast %lt3A_410 : i32 to vector<16xi32>
    %lt3A_412 = arith.cmpi slt, %xor3A_399, %lt3A_411 : vector<16xi32>
    %add3A_413 = arith.constant 16 : i32
    %add3A_414 = vector.broadcast %add3A_413 : i32 to vector<16xi32>
    %add3A_415 = arith.addi %xor3A_399, %add3A_414 : vector<16xi32>
    %select_n3A_416 = arith.select %lt3A_412, %add3A_415, %xor3A_399 : vector<16xi1>, vector<16xi32>
    %broadcast_in_dim3A_417 = vector.shape_cast %select_n3A_416 : vector<16xi32> to vector<16x1xi32>
    %gather3A_418 = vector.shape_cast %broadcast_in_dim3A_417 : vector<16x1xi32> to vector<16xi32>
    %gather3A_419 = tpu.dynamic_gather %iota3A[%gather3A_418] in [0] : vector<16xi32>, vector<16xi32> -> vector<16xi32>
    %gt3A_420 = arith.cmpf ogt, %gather3A_409, %select_n3A_396 : vector<16xf32>
    %eq3A_421 = arith.cmpf oeq, %gather3A_409, %select_n3A_396 : vector<16xf32>
    %lt3A_422 = arith.cmpi slt, %gather3A_419, %iota3A : vector<16xi32>
    %and3A_423 = arith.andi %eq3A_421, %lt3A_422 : vector<16xi1>
    %or3A_424 = arith.ori %gt3A_420, %and3A_423 : vector<16xi1>
    %select_n3A_425 = arith.select %or3A_424, %gather3A_409, %select_n3A_396 : vector<16xi1>, vector<16xf32>
    %select_n3A_426 = arith.select %or3A_424, %gather3A_419, %iota3A : vector<16xi1>, vector<16xi32>
    %xor3A_427 = arith.constant 4 : i32
    %xor3A_428 = vector.broadcast %xor3A_427 : i32 to vector<16xi32>
    %xor3A_429 = arith.xori %iota3A, %xor3A_428 : vector<16xi32>
    %lt3A_430 = arith.constant 0 : i32
    %lt3A_431 = vector.broadcast %lt3A_430 : i32 to vector<16xi32>
    %lt3A_432 = arith.cmpi slt, %xor3A_429, %lt3A_431 : vector<16xi32>
    %add3A_433 = arith.constant 16 : i32
    %add3A_434 = vector.broadcast %add3A_433 : i32 to vector<16xi32>
    %add3A_435 = arith.addi %xor3A_429, %add3A_434 : vector<16xi32>
    %select_n3A_436 = arith.select %lt3A_432, %add3A_435, %xor3A_429 : vector<16xi1>, vector<16xi32>
    %broadcast_in_dim3A_437 = vector.shape_cast %select_n3A_436 : vector<16xi32> to vector<16x1xi32>
    %gather3A_438 = vector.shape_cast %broadcast_in_dim3A_437 : vector<16x1xi32> to vector<16xi32>
    %gather3A_439 = tpu.dynamic_gather %select_n3A_425[%gather3A_438] in [0] : vector<16xf32>, vector<16xi32> -> vector<16xf32>
    %lt3A_440 = arith.constant 0 : i32
    %lt3A_441 = vector.broadcast %lt3A_440 : i32 to vector<16xi32>
    %lt3A_442 = arith.cmpi slt, %xor3A_429, %lt3A_441 : vector<16xi32>
    %add3A_443 = arith.constant 16 : i32
    %add3A_444 = vector.broadcast %add3A_443 : i32 to vector<16xi32>
    %add3A_445 = arith.addi %xor3A_429, %add3A_444 : vector<16xi32>
    %select_n3A_446 = arith.select %lt3A_442, %add3A_445, %xor3A_429 : vector<16xi1>, vector<16xi32>
    %broadcast_in_dim3A_447 = vector.shape_cast %select_n3A_446 : vector<16xi32> to vector<16x1xi32>
    %gather3A_448 = vector.shape_cast %broadcast_in_dim3A_447 : vector<16x1xi32> to vector<16xi32>
    %gather3A_449 = tpu.dynamic_gather %select_n3A_426[%gather3A_448] in [0] : vector<16xi32>, vector<16xi32> -> vector<16xi32>
    %gt3A_450 = arith.cmpf ogt, %gather3A_439, %select_n3A_425 : vector<16xf32>
    %eq3A_451 = arith.cmpf oeq, %gather3A_439, %select_n3A_425 : vector<16xf32>
    %lt3A_452 = arith.cmpi slt, %gather3A_449, %select_n3A_426 : vector<16xi32>
    %and3A_453 = arith.andi %eq3A_451, %lt3A_452 : vector<16xi1>
    %or3A_454 = arith.ori %gt3A_450, %and3A_453 : vector<16xi1>
    %select_n3A_455 = arith.select %or3A_454, %gather3A_439, %select_n3A_425 : vector<16xi1>, vector<16xf32>
    %select_n3A_456 = arith.select %or3A_454, %gather3A_449, %select_n3A_426 : vector<16xi1>, vector<16xi32>
    %xor3A_457 = arith.constant 2 : i32
    %xor3A_458 = vector.broadcast %xor3A_457 : i32 to vector<16xi32>
    %xor3A_459 = arith.xori %iota3A, %xor3A_458 : vector<16xi32>
    %lt3A_460 = arith.constant 0 : i32
    %lt3A_461 = vector.broadcast %lt3A_460 : i32 to vector<16xi32>
    %lt3A_462 = arith.cmpi slt, %xor3A_459, %lt3A_461 : vector<16xi32>
    %add3A_463 = arith.constant 16 : i32
    %add3A_464 = vector.broadcast %add3A_463 : i32 to vector<16xi32>
    %add3A_465 = arith.addi %xor3A_459, %add3A_464 : vector<16xi32>
    %select_n3A_466 = arith.select %lt3A_462, %add3A_465, %xor3A_459 : vector<16xi1>, vector<16xi32>
    %broadcast_in_dim3A_467 = vector.shape_cast %select_n3A_466 : vector<16xi32> to vector<16x1xi32>
    %gather3A_468 = vector.shape_cast %broadcast_in_dim3A_467 : vector<16x1xi32> to vector<16xi32>
    %gather3A_469 = tpu.dynamic_gather %select_n3A_455[%gather3A_468] in [0] : vector<16xf32>, vector<16xi32> -> vector<16xf32>
    %lt3A_470 = arith.constant 0 : i32
    %lt3A_471 = vector.broadcast %lt3A_470 : i32 to vector<16xi32>
    %lt3A_472 = arith.cmpi slt, %xor3A_459, %lt3A_471 : vector<16xi32>
    %add3A_473 = arith.constant 16 : i32
    %add3A_474 = vector.broadcast %add3A_473 : i32 to vector<16xi32>
    %add3A_475 = arith.addi %xor3A_459, %add3A_474 : vector<16xi32>
    %select_n3A_476 = arith.select %lt3A_472, %add3A_475, %xor3A_459 : vector<16xi1>, vector<16xi32>
    %broadcast_in_dim3A_477 = vector.shape_cast %select_n3A_476 : vector<16xi32> to vector<16x1xi32>
    %gather3A_478 = vector.shape_cast %broadcast_in_dim3A_477 : vector<16x1xi32> to vector<16xi32>
    %gather3A_479 = tpu.dynamic_gather %select_n3A_456[%gather3A_478] in [0] : vector<16xi32>, vector<16xi32> -> vector<16xi32>
    %gt3A_480 = arith.cmpf ogt, %gather3A_469, %select_n3A_455 : vector<16xf32>
    %eq3A_481 = arith.cmpf oeq, %gather3A_469, %select_n3A_455 : vector<16xf32>
    %lt3A_482 = arith.cmpi slt, %gather3A_479, %select_n3A_456 : vector<16xi32>
    %and3A_483 = arith.andi %eq3A_481, %lt3A_482 : vector<16xi1>
    %or3A_484 = arith.ori %gt3A_480, %and3A_483 : vector<16xi1>
    %select_n3A_485 = arith.select %or3A_484, %gather3A_469, %select_n3A_455 : vector<16xi1>, vector<16xf32>
    %select_n3A_486 = arith.select %or3A_484, %gather3A_479, %select_n3A_456 : vector<16xi1>, vector<16xi32>
    %xor3A_487 = arith.constant 1 : i32
    %xor3A_488 = vector.broadcast %xor3A_487 : i32 to vector<16xi32>
    %xor3A_489 = arith.xori %iota3A, %xor3A_488 : vector<16xi32>
    %lt3A_490 = arith.constant 0 : i32
    %lt3A_491 = vector.broadcast %lt3A_490 : i32 to vector<16xi32>
    %lt3A_492 = arith.cmpi slt, %xor3A_489, %lt3A_491 : vector<16xi32>
    %add3A_493 = arith.constant 16 : i32
    %add3A_494 = vector.broadcast %add3A_493 : i32 to vector<16xi32>
    %add3A_495 = arith.addi %xor3A_489, %add3A_494 : vector<16xi32>
    %select_n3A_496 = arith.select %lt3A_492, %add3A_495, %xor3A_489 : vector<16xi1>, vector<16xi32>
    %broadcast_in_dim3A_497 = vector.shape_cast %select_n3A_496 : vector<16xi32> to vector<16x1xi32>
    %gather3A_498 = vector.shape_cast %broadcast_in_dim3A_497 : vector<16x1xi32> to vector<16xi32>
    %gather3A_499 = tpu.dynamic_gather %select_n3A_485[%gather3A_498] in [0] : vector<16xf32>, vector<16xi32> -> vector<16xf32>
    %lt3A_500 = arith.constant 0 : i32
    %lt3A_501 = vector.broadcast %lt3A_500 : i32 to vector<16xi32>
    %lt3A_502 = arith.cmpi slt, %xor3A_489, %lt3A_501 : vector<16xi32>
    %add3A_503 = arith.constant 16 : i32
    %add3A_504 = vector.broadcast %add3A_503 : i32 to vector<16xi32>
    %add3A_505 = arith.addi %xor3A_489, %add3A_504 : vector<16xi32>
    %select_n3A_506 = arith.select %lt3A_502, %add3A_505, %xor3A_489 : vector<16xi1>, vector<16xi32>
    %broadcast_in_dim3A_507 = vector.shape_cast %select_n3A_506 : vector<16xi32> to vector<16x1xi32>
    %gather3A_508 = vector.shape_cast %broadcast_in_dim3A_507 : vector<16x1xi32> to vector<16xi32>
    %gather3A_509 = tpu.dynamic_gather %select_n3A_486[%gather3A_508] in [0] : vector<16xi32>, vector<16xi32> -> vector<16xi32>
    %gt3A_510 = arith.cmpf ogt, %gather3A_499, %select_n3A_485 : vector<16xf32>
    %eq3A_511 = arith.cmpf oeq, %gather3A_499, %select_n3A_485 : vector<16xf32>
    %lt3A_512 = arith.cmpi slt, %gather3A_509, %select_n3A_486 : vector<16xi32>
    %and3A_513 = arith.andi %eq3A_511, %lt3A_512 : vector<16xi1>
    %or3A_514 = arith.ori %gt3A_510, %and3A_513 : vector<16xi1>
    %select_n3A_515 = arith.select %or3A_514, %gather3A_499, %select_n3A_485 : vector<16xi1>, vector<16xf32>
    %select_n3A_516 = arith.select %or3A_514, %gather3A_509, %select_n3A_486 : vector<16xi1>, vector<16xi32>
    %sub3A_517 = arith.subf %select_n3A_515, %select_n3A_391 : vector<16xf32>
    %exp3A_518 = math.exp %sub3A_517 : vector<16xf32>
    %add3A_519 = arith.constant 1.000000e+00 : f32
    %add3A_520 = vector.broadcast %add3A_519 : f32 to vector<16xf32>
    %add3A_521 = arith.addf %add3A_520, %exp3A_518 : vector<16xf32>
    %eq3A_522 = arith.cmpi eq, %iota3A, %select_n3A_392 : vector<16xi32>
    %div3A_523 = arith.constant 1.000000e+00 : f32
    %div3A_524 = vector.broadcast %div3A_523 : f32 to vector<16xf32>
    %div3A_525 = arith.divf %div3A_524, %add3A_521 : vector<16xf32>
    %eq3A_526 = arith.cmpi eq, %iota3A, %select_n3A_516 : vector<16xi32>
    %div3A_527 = arith.divf %exp3A_518, %add3A_521 : vector<16xf32>
    %jit3A_528 = arith.constant 0.000000e+00 : f32
    %broadcast_in_dim3A_529 = vector.broadcast %jit3A_528 : f32 to vector<16xf32>
    %select_n3A_530 = arith.select %eq3A_526, %div3A_527, %broadcast_in_dim3A_529 : vector<16xi1>, vector<16xf32>
    %select_n3A_531 = arith.select %eq3A_522, %div3A_525, %select_n3A_530 : vector<16xi1>, vector<16xf32>
    %swap3A_532 = arith.constant 1 : i32
    %swap3A_533 = arith.index_cast %swap3A_532 : i32 to index
    %swap3A_534 = arith.constant 0 : index
    %swap3A_535 = tpu.vector_load %arg6[%swap3A_533, %swap3A_534] {strides = array<i32>} : memref<4x16xf32, #tpu.memory_space<vmem>>, vector<1x16xf32>,
    %swap3A_536 = vector.shape_cast %swap3A_535 : vector<1x16xf32> to vector<16xf32>
    %swap3A_537 = vector.shape_cast %select_n3A_531 : vector<16xf32> to vector<1x16xf32>
    tpu.vector_store %arg6[%swap3A_533, %swap3A_534], %swap3A_537 {strides = array<i32>} : memref<4x16xf32, #tpu.memory_space<vmem>>, vector<1x16xf32>,
    %eq3A_538 = arith.constant 2 : i32
    %eq3A_539 = vector.broadcast %eq3A_538 : i32 to vector<16xi32>
    %eq3A_540 = arith.cmpi eq, %iota3A, %eq3A_539 : vector<16xi32>
    %select_n3A_541 = arith.select %eq3A_540, %select_n3A_392, %select_n3A_267 : vector<16xi1>, vector<16xi32>
    %eq3A_542 = arith.constant 3 : i32
    %eq3A_543 = vector.broadcast %eq3A_542 : i32 to vector<16xi32>
    %eq3A_544 = arith.cmpi eq, %iota3A, %eq3A_543 : vector<16xi32>
    %select_n3A_545 = arith.select %eq3A_544, %select_n3A_516, %select_n3A_541 : vector<16xi1>, vector<16xi32>
    %get3A_546 = arith.constant 2 : i32
    %get3A_547 = arith.index_cast %get3A_546 : i32 to index
    %get3A_548 = arith.constant 0 : index
    %get3A_549 = tpu.vector_load %arg5[%get3A_547, %get3A_548] {strides = array<i32>} : memref<4x16xf32, #tpu.memory_space<vmem>>, vector<1x16xf32>,
    %get3A_550 = vector.shape_cast %get3A_549 : vector<1x16xf32> to vector<16xf32>
    %xor3A_551 = arith.constant 8 : i32
    %xor3A_552 = vector.broadcast %xor3A_551 : i32 to vector<16xi32>
    %xor3A_553 = arith.xori %iota3A, %xor3A_552 : vector<16xi32>
    %lt3A_554 = arith.constant 0 : i32
    %lt3A_555 = vector.broadcast %lt3A_554 : i32 to vector<16xi32>
    %lt3A_556 = arith.cmpi slt, %xor3A_553, %lt3A_555 : vector<16xi32>
    %add3A_557 = arith.constant 16 : i32
    %add3A_558 = vector.broadcast %add3A_557 : i32 to vector<16xi32>
    %add3A_559 = arith.addi %xor3A_553, %add3A_558 : vector<16xi32>
    %select_n3A_560 = arith.select %lt3A_556, %add3A_559, %xor3A_553 : vector<16xi1>, vector<16xi32>
    %broadcast_in_dim3A_561 = vector.shape_cast %select_n3A_560 : vector<16xi32> to vector<16x1xi32>
    %gather3A_562 = vector.shape_cast %broadcast_in_dim3A_561 : vector<16x1xi32> to vector<16xi32>
    %gather3A_563 = tpu.dynamic_gather %get3A_550[%gather3A_562] in [0] : vector<16xf32>, vector<16xi32> -> vector<16xf32>
    %lt3A_564 = arith.constant 0 : i32
    %lt3A_565 = vector.broadcast %lt3A_564 : i32 to vector<16xi32>
    %lt3A_566 = arith.cmpi slt, %xor3A_553, %lt3A_565 : vector<16xi32>
    %add3A_567 = arith.constant 16 : i32
    %add3A_568 = vector.broadcast %add3A_567 : i32 to vector<16xi32>
    %add3A_569 = arith.addi %xor3A_553, %add3A_568 : vector<16xi32>
    %select_n3A_570 = arith.select %lt3A_566, %add3A_569, %xor3A_553 : vector<16xi1>, vector<16xi32>
    %broadcast_in_dim3A_571 = vector.shape_cast %select_n3A_570 : vector<16xi32> to vector<16x1xi32>
    %gather3A_572 = vector.shape_cast %broadcast_in_dim3A_571 : vector<16x1xi32> to vector<16xi32>
    %gather3A_573 = tpu.dynamic_gather %iota3A[%gather3A_572] in [0] : vector<16xi32>, vector<16xi32> -> vector<16xi32>
    %gt3A_574 = arith.cmpf ogt, %gather3A_563, %get3A_550 : vector<16xf32>
    %eq3A_575 = arith.cmpf oeq, %gather3A_563, %get3A_550 : vector<16xf32>
    %lt3A_576 = arith.cmpi slt, %gather3A_573, %iota3A : vector<16xi32>
    %and3A_577 = arith.andi %eq3A_575, %lt3A_576 : vector<16xi1>
    %or3A_578 = arith.ori %gt3A_574, %and3A_577 : vector<16xi1>
    %select_n3A_579 = arith.select %or3A_578, %gather3A_563, %get3A_550 : vector<16xi1>, vector<16xf32>
    %select_n3A_580 = arith.select %or3A_578, %gather3A_573, %iota3A : vector<16xi1>, vector<16xi32>
    %xor3A_581 = arith.constant 4 : i32
    %xor3A_582 = vector.broadcast %xor3A_581 : i32 to vector<16xi32>
    %xor3A_583 = arith.xori %iota3A, %xor3A_582 : vector<16xi32>
    %lt3A_584 = arith.constant 0 : i32
    %lt3A_585 = vector.broadcast %lt3A_584 : i32 to vector<16xi32>
    %lt3A_586 = arith.cmpi slt, %xor3A_583, %lt3A_585 : vector<16xi32>
    %add3A_587 = arith.constant 16 : i32
    %add3A_588 = vector.broadcast %add3A_587 : i32 to vector<16xi32>
    %add3A_589 = arith.addi %xor3A_583, %add3A_588 : vector<16xi32>
    %select_n3A_590 = arith.select %lt3A_586, %add3A_589, %xor3A_583 : vector<16xi1>, vector<16xi32>
    %broadcast_in_dim3A_591 = vector.shape_cast %select_n3A_590 : vector<16xi32> to vector<16x1xi32>
    %gather3A_592 = vector.shape_cast %broadcast_in_dim3A_591 : vector<16x1xi32> to vector<16xi32>
    %gather3A_593 = tpu.dynamic_gather %select_n3A_579[%gather3A_592] in [0] : vector<16xf32>, vector<16xi32> -> vector<16xf32>
    %lt3A_594 = arith.constant 0 : i32
    %lt3A_595 = vector.broadcast %lt3A_594 : i32 to vector<16xi32>
    %lt3A_596 = arith.cmpi slt, %xor3A_583, %lt3A_595 : vector<16xi32>
    %add3A_597 = arith.constant 16 : i32
    %add3A_598 = vector.broadcast %add3A_597 : i32 to vector<16xi32>
    %add3A_599 = arith.addi %xor3A_583, %add3A_598 : vector<16xi32>
    %select_n3A_600 = arith.select %lt3A_596, %add3A_599, %xor3A_583 : vector<16xi1>, vector<16xi32>
    %broadcast_in_dim3A_601 = vector.shape_cast %select_n3A_600 : vector<16xi32> to vector<16x1xi32>
    %gather3A_602 = vector.shape_cast %broadcast_in_dim3A_601 : vector<16x1xi32> to vector<16xi32>
    %gather3A_603 = tpu.dynamic_gather %select_n3A_580[%gather3A_602] in [0] : vector<16xi32>, vector<16xi32> -> vector<16xi32>
    %gt3A_604 = arith.cmpf ogt, %gather3A_593, %select_n3A_579 : vector<16xf32>
    %eq3A_605 = arith.cmpf oeq, %gather3A_593, %select_n3A_579 : vector<16xf32>
    %lt3A_606 = arith.cmpi slt, %gather3A_603, %select_n3A_580 : vector<16xi32>
    %and3A_607 = arith.andi %eq3A_605, %lt3A_606 : vector<16xi1>
    %or3A_608 = arith.ori %gt3A_604, %and3A_607 : vector<16xi1>
    %select_n3A_609 = arith.select %or3A_608, %gather3A_593, %select_n3A_579 : vector<16xi1>, vector<16xf32>
    %select_n3A_610 = arith.select %or3A_608, %gather3A_603, %select_n3A_580 : vector<16xi1>, vector<16xi32>
    %xor3A_611 = arith.constant 2 : i32
    %xor3A_612 = vector.broadcast %xor3A_611 : i32 to vector<16xi32>
    %xor3A_613 = arith.xori %iota3A, %xor3A_612 : vector<16xi32>
    %lt3A_614 = arith.constant 0 : i32
    %lt3A_615 = vector.broadcast %lt3A_614 : i32 to vector<16xi32>
    %lt3A_616 = arith.cmpi slt, %xor3A_613, %lt3A_615 : vector<16xi32>
    %add3A_617 = arith.constant 16 : i32
    %add3A_618 = vector.broadcast %add3A_617 : i32 to vector<16xi32>
    %add3A_619 = arith.addi %xor3A_613, %add3A_618 : vector<16xi32>
    %select_n3A_620 = arith.select %lt3A_616, %add3A_619, %xor3A_613 : vector<16xi1>, vector<16xi32>
    %broadcast_in_dim3A_621 = vector.shape_cast %select_n3A_620 : vector<16xi32> to vector<16x1xi32>
    %gather3A_622 = vector.shape_cast %broadcast_in_dim3A_621 : vector<16x1xi32> to vector<16xi32>
    %gather3A_623 = tpu.dynamic_gather %select_n3A_609[%gather3A_622] in [0] : vector<16xf32>, vector<16xi32> -> vector<16xf32>
    %lt3A_624 = arith.constant 0 : i32
    %lt3A_625 = vector.broadcast %lt3A_624 : i32 to vector<16xi32>
    %lt3A_626 = arith.cmpi slt, %xor3A_613, %lt3A_625 : vector<16xi32>
    %add3A_627 = arith.constant 16 : i32
    %add3A_628 = vector.broadcast %add3A_627 : i32 to vector<16xi32>
    %add3A_629 = arith.addi %xor3A_613, %add3A_628 : vector<16xi32>
    %select_n3A_630 = arith.select %lt3A_626, %add3A_629, %xor3A_613 : vector<16xi1>, vector<16xi32>
    %broadcast_in_dim3A_631 = vector.shape_cast %select_n3A_630 : vector<16xi32> to vector<16x1xi32>
    %gather3A_632 = vector.shape_cast %broadcast_in_dim3A_631 : vector<16x1xi32> to vector<16xi32>
    %gather3A_633 = tpu.dynamic_gather %select_n3A_610[%gather3A_632] in [0] : vector<16xi32>, vector<16xi32> -> vector<16xi32>
    %gt3A_634 = arith.cmpf ogt, %gather3A_623, %select_n3A_609 : vector<16xf32>
    %eq3A_635 = arith.cmpf oeq, %gather3A_623, %select_n3A_609 : vector<16xf32>
    %lt3A_636 = arith.cmpi slt, %gather3A_633, %select_n3A_610 : vector<16xi32>
    %and3A_637 = arith.andi %eq3A_635, %lt3A_636 : vector<16xi1>
    %or3A_638 = arith.ori %gt3A_634, %and3A_637 : vector<16xi1>
    %select_n3A_639 = arith.select %or3A_638, %gather3A_623, %select_n3A_609 : vector<16xi1>, vector<16xf32>
    %select_n3A_640 = arith.select %or3A_638, %gather3A_633, %select_n3A_610 : vector<16xi1>, vector<16xi32>
    %xor3A_641 = arith.constant 1 : i32
    %xor3A_642 = vector.broadcast %xor3A_641 : i32 to vector<16xi32>
    %xor3A_643 = arith.xori %iota3A, %xor3A_642 : vector<16xi32>
    %lt3A_644 = arith.constant 0 : i32
    %lt3A_645 = vector.broadcast %lt3A_644 : i32 to vector<16xi32>
    %lt3A_646 = arith.cmpi slt, %xor3A_643, %lt3A_645 : vector<16xi32>
    %add3A_647 = arith.constant 16 : i32
    %add3A_648 = vector.broadcast %add3A_647 : i32 to vector<16xi32>
    %add3A_649 = arith.addi %xor3A_643, %add3A_648 : vector<16xi32>
    %select_n3A_650 = arith.select %lt3A_646, %add3A_649, %xor3A_643 : vector<16xi1>, vector<16xi32>
    %broadcast_in_dim3A_651 = vector.shape_cast %select_n3A_650 : vector<16xi32> to vector<16x1xi32>
    %gather3A_652 = vector.shape_cast %broadcast_in_dim3A_651 : vector<16x1xi32> to vector<16xi32>
    %gather3A_653 = tpu.dynamic_gather %select_n3A_639[%gather3A_652] in [0] : vector<16xf32>, vector<16xi32> -> vector<16xf32>
    %lt3A_654 = arith.constant 0 : i32
    %lt3A_655 = vector.broadcast %lt3A_654 : i32 to vector<16xi32>
    %lt3A_656 = arith.cmpi slt, %xor3A_643, %lt3A_655 : vector<16xi32>
    %add3A_657 = arith.constant 16 : i32
    %add3A_658 = vector.broadcast %add3A_657 : i32 to vector<16xi32>
    %add3A_659 = arith.addi %xor3A_643, %add3A_658 : vector<16xi32>
    %select_n3A_660 = arith.select %lt3A_656, %add3A_659, %xor3A_643 : vector<16xi1>, vector<16xi32>
    %broadcast_in_dim3A_661 = vector.shape_cast %select_n3A_660 : vector<16xi32> to vector<16x1xi32>
    %gather3A_662 = vector.shape_cast %broadcast_in_dim3A_661 : vector<16x1xi32> to vector<16xi32>
    %gather3A_663 = tpu.dynamic_gather %select_n3A_640[%gather3A_662] in [0] : vector<16xi32>, vector<16xi32> -> vector<16xi32>
    %gt3A_664 = arith.cmpf ogt, %gather3A_653, %select_n3A_639 : vector<16xf32>
    %eq3A_665 = arith.cmpf oeq, %gather3A_653, %select_n3A_639 : vector<16xf32>
    %lt3A_666 = arith.cmpi slt, %gather3A_663, %select_n3A_640 : vector<16xi32>
    %and3A_667 = arith.andi %eq3A_665, %lt3A_666 : vector<16xi1>
    %or3A_668 = arith.ori %gt3A_664, %and3A_667 : vector<16xi1>
    %select_n3A_669 = arith.select %or3A_668, %gather3A_653, %select_n3A_639 : vector<16xi1>, vector<16xf32>
    %select_n3A_670 = arith.select %or3A_668, %gather3A_663, %select_n3A_640 : vector<16xi1>, vector<16xi32>
    %eq3A_671 = arith.cmpi eq, %iota3A, %select_n3A_670 : vector<16xi32>
    %jit3A_672 = arith.constant 0xFF800000 : f32
    %broadcast_in_dim3A_673 = vector.broadcast %jit3A_672 : f32 to vector<16xf32>
    %select_n3A_674 = arith.select %eq3A_671, %broadcast_in_dim3A_673, %get3A_550 : vector<16xi1>, vector<16xf32>
    %xor3A_675 = arith.constant 8 : i32
    %xor3A_676 = vector.broadcast %xor3A_675 : i32 to vector<16xi32>
    %xor3A_677 = arith.xori %iota3A, %xor3A_676 : vector<16xi32>
    %lt3A_678 = arith.constant 0 : i32
    %lt3A_679 = vector.broadcast %lt3A_678 : i32 to vector<16xi32>
    %lt3A_680 = arith.cmpi slt, %xor3A_677, %lt3A_679 : vector<16xi32>
    %add3A_681 = arith.constant 16 : i32
    %add3A_682 = vector.broadcast %add3A_681 : i32 to vector<16xi32>
    %add3A_683 = arith.addi %xor3A_677, %add3A_682 : vector<16xi32>
    %select_n3A_684 = arith.select %lt3A_680, %add3A_683, %xor3A_677 : vector<16xi1>, vector<16xi32>
    %broadcast_in_dim3A_685 = vector.shape_cast %select_n3A_684 : vector<16xi32> to vector<16x1xi32>
    %gather3A_686 = vector.shape_cast %broadcast_in_dim3A_685 : vector<16x1xi32> to vector<16xi32>
    %gather3A_687 = tpu.dynamic_gather %select_n3A_674[%gather3A_686] in [0] : vector<16xf32>, vector<16xi32> -> vector<16xf32>
    %lt3A_688 = arith.constant 0 : i32
    %lt3A_689 = vector.broadcast %lt3A_688 : i32 to vector<16xi32>
    %lt3A_690 = arith.cmpi slt, %xor3A_677, %lt3A_689 : vector<16xi32>
    %add3A_691 = arith.constant 16 : i32
    %add3A_692 = vector.broadcast %add3A_691 : i32 to vector<16xi32>
    %add3A_693 = arith.addi %xor3A_677, %add3A_692 : vector<16xi32>
    %select_n3A_694 = arith.select %lt3A_690, %add3A_693, %xor3A_677 : vector<16xi1>, vector<16xi32>
    %broadcast_in_dim3A_695 = vector.shape_cast %select_n3A_694 : vector<16xi32> to vector<16x1xi32>
    %gather3A_696 = vector.shape_cast %broadcast_in_dim3A_695 : vector<16x1xi32> to vector<16xi32>
    %gather3A_697 = tpu.dynamic_gather %iota3A[%gather3A_696] in [0] : vector<16xi32>, vector<16xi32> -> vector<16xi32>
    %gt3A_698 = arith.cmpf ogt, %gather3A_687, %select_n3A_674 : vector<16xf32>
    %eq3A_699 = arith.cmpf oeq, %gather3A_687, %select_n3A_674 : vector<16xf32>
    %lt3A_700 = arith.cmpi slt, %gather3A_697, %iota3A : vector<16xi32>
    %and3A_701 = arith.andi %eq3A_699, %lt3A_700 : vector<16xi1>
    %or3A_702 = arith.ori %gt3A_698, %and3A_701 : vector<16xi1>
    %select_n3A_703 = arith.select %or3A_702, %gather3A_687, %select_n3A_674 : vector<16xi1>, vector<16xf32>
    %select_n3A_704 = arith.select %or3A_702, %gather3A_697, %iota3A : vector<16xi1>, vector<16xi32>
    %xor3A_705 = arith.constant 4 : i32
    %xor3A_706 = vector.broadcast %xor3A_705 : i32 to vector<16xi32>
    %xor3A_707 = arith.xori %iota3A, %xor3A_706 : vector<16xi32>
    %lt3A_708 = arith.constant 0 : i32
    %lt3A_709 = vector.broadcast %lt3A_708 : i32 to vector<16xi32>
    %lt3A_710 = arith.cmpi slt, %xor3A_707, %lt3A_709 : vector<16xi32>
    %add3A_711 = arith.constant 16 : i32
    %add3A_712 = vector.broadcast %add3A_711 : i32 to vector<16xi32>
    %add3A_713 = arith.addi %xor3A_707, %add3A_712 : vector<16xi32>
    %select_n3A_714 = arith.select %lt3A_710, %add3A_713, %xor3A_707 : vector<16xi1>, vector<16xi32>
    %broadcast_in_dim3A_715 = vector.shape_cast %select_n3A_714 : vector<16xi32> to vector<16x1xi32>
    %gather3A_716 = vector.shape_cast %broadcast_in_dim3A_715 : vector<16x1xi32> to vector<16xi32>
    %gather3A_717 = tpu.dynamic_gather %select_n3A_703[%gather3A_716] in [0] : vector<16xf32>, vector<16xi32> -> vector<16xf32>
    %lt3A_718 = arith.constant 0 : i32
    %lt3A_719 = vector.broadcast %lt3A_718 : i32 to vector<16xi32>
    %lt3A_720 = arith.cmpi slt, %xor3A_707, %lt3A_719 : vector<16xi32>
    %add3A_721 = arith.constant 16 : i32
    %add3A_722 = vector.broadcast %add3A_721 : i32 to vector<16xi32>
    %add3A_723 = arith.addi %xor3A_707, %add3A_722 : vector<16xi32>
    %select_n3A_724 = arith.select %lt3A_720, %add3A_723, %xor3A_707 : vector<16xi1>, vector<16xi32>
    %broadcast_in_dim3A_725 = vector.shape_cast %select_n3A_724 : vector<16xi32> to vector<16x1xi32>
    %gather3A_726 = vector.shape_cast %broadcast_in_dim3A_725 : vector<16x1xi32> to vector<16xi32>
    %gather3A_727 = tpu.dynamic_gather %select_n3A_704[%gather3A_726] in [0] : vector<16xi32>, vector<16xi32> -> vector<16xi32>
    %gt3A_728 = arith.cmpf ogt, %gather3A_717, %select_n3A_703 : vector<16xf32>
    %eq3A_729 = arith.cmpf oeq, %gather3A_717, %select_n3A_703 : vector<16xf32>
    %lt3A_730 = arith.cmpi slt, %gather3A_727, %select_n3A_704 : vector<16xi32>
    %and3A_731 = arith.andi %eq3A_729, %lt3A_730 : vector<16xi1>
    %or3A_732 = arith.ori %gt3A_728, %and3A_731 : vector<16xi1>
    %select_n3A_733 = arith.select %or3A_732, %gather3A_717, %select_n3A_703 : vector<16xi1>, vector<16xf32>
    %select_n3A_734 = arith.select %or3A_732, %gather3A_727, %select_n3A_704 : vector<16xi1>, vector<16xi32>
    %xor3A_735 = arith.constant 2 : i32
    %xor3A_736 = vector.broadcast %xor3A_735 : i32 to vector<16xi32>
    %xor3A_737 = arith.xori %iota3A, %xor3A_736 : vector<16xi32>
    %lt3A_738 = arith.constant 0 : i32
    %lt3A_739 = vector.broadcast %lt3A_738 : i32 to vector<16xi32>
    %lt3A_740 = arith.cmpi slt, %xor3A_737, %lt3A_739 : vector<16xi32>
    %add3A_741 = arith.constant 16 : i32
    %add3A_742 = vector.broadcast %add3A_741 : i32 to vector<16xi32>
    %add3A_743 = arith.addi %xor3A_737, %add3A_742 : vector<16xi32>
    %select_n3A_744 = arith.select %lt3A_740, %add3A_743, %xor3A_737 : vector<16xi1>, vector<16xi32>
    %broadcast_in_dim3A_745 = vector.shape_cast %select_n3A_744 : vector<16xi32> to vector<16x1xi32>
    %gather3A_746 = vector.shape_cast %broadcast_in_dim3A_745 : vector<16x1xi32> to vector<16xi32>
    %gather3A_747 = tpu.dynamic_gather %select_n3A_733[%gather3A_746] in [0] : vector<16xf32>, vector<16xi32> -> vector<16xf32>
    %lt3A_748 = arith.constant 0 : i32
    %lt3A_749 = vector.broadcast %lt3A_748 : i32 to vector<16xi32>
    %lt3A_750 = arith.cmpi slt, %xor3A_737, %lt3A_749 : vector<16xi32>
    %add3A_751 = arith.constant 16 : i32
    %add3A_752 = vector.broadcast %add3A_751 : i32 to vector<16xi32>
    %add3A_753 = arith.addi %xor3A_737, %add3A_752 : vector<16xi32>
    %select_n3A_754 = arith.select %lt3A_750, %add3A_753, %xor3A_737 : vector<16xi1>, vector<16xi32>
    %broadcast_in_dim3A_755 = vector.shape_cast %select_n3A_754 : vector<16xi32> to vector<16x1xi32>
    %gather3A_756 = vector.shape_cast %broadcast_in_dim3A_755 : vector<16x1xi32> to vector<16xi32>
    %gather3A_757 = tpu.dynamic_gather %select_n3A_734[%gather3A_756] in [0] : vector<16xi32>, vector<16xi32> -> vector<16xi32>
    %gt3A_758 = arith.cmpf ogt, %gather3A_747, %select_n3A_733 : vector<16xf32>
    %eq3A_759 = arith.cmpf oeq, %gather3A_747, %select_n3A_733 : vector<16xf32>
    %lt3A_760 = arith.cmpi slt, %gather3A_757, %select_n3A_734 : vector<16xi32>
    %and3A_761 = arith.andi %eq3A_759, %lt3A_760 : vector<16xi1>
    %or3A_762 = arith.ori %gt3A_758, %and3A_761 : vector<16xi1>
    %select_n3A_763 = arith.select %or3A_762, %gather3A_747, %select_n3A_733 : vector<16xi1>, vector<16xf32>
    %select_n3A_764 = arith.select %or3A_762, %gather3A_757, %select_n3A_734 : vector<16xi1>, vector<16xi32>
    %xor3A_765 = arith.constant 1 : i32
    %xor3A_766 = vector.broadcast %xor3A_765 : i32 to vector<16xi32>
    %xor3A_767 = arith.xori %iota3A, %xor3A_766 : vector<16xi32>
    %lt3A_768 = arith.constant 0 : i32
    %lt3A_769 = vector.broadcast %lt3A_768 : i32 to vector<16xi32>
    %lt3A_770 = arith.cmpi slt, %xor3A_767, %lt3A_769 : vector<16xi32>
    %add3A_771 = arith.constant 16 : i32
    %add3A_772 = vector.broadcast %add3A_771 : i32 to vector<16xi32>
    %add3A_773 = arith.addi %xor3A_767, %add3A_772 : vector<16xi32>
    %select_n3A_774 = arith.select %lt3A_770, %add3A_773, %xor3A_767 : vector<16xi1>, vector<16xi32>
    %broadcast_in_dim3A_775 = vector.shape_cast %select_n3A_774 : vector<16xi32> to vector<16x1xi32>
    %gather3A_776 = vector.shape_cast %broadcast_in_dim3A_775 : vector<16x1xi32> to vector<16xi32>
    %gather3A_777 = tpu.dynamic_gather %select_n3A_763[%gather3A_776] in [0] : vector<16xf32>, vector<16xi32> -> vector<16xf32>
    %lt3A_778 = arith.constant 0 : i32
    %lt3A_779 = vector.broadcast %lt3A_778 : i32 to vector<16xi32>
    %lt3A_780 = arith.cmpi slt, %xor3A_767, %lt3A_779 : vector<16xi32>
    %add3A_781 = arith.constant 16 : i32
    %add3A_782 = vector.broadcast %add3A_781 : i32 to vector<16xi32>
    %add3A_783 = arith.addi %xor3A_767, %add3A_782 : vector<16xi32>
    %select_n3A_784 = arith.select %lt3A_780, %add3A_783, %xor3A_767 : vector<16xi1>, vector<16xi32>
    %broadcast_in_dim3A_785 = vector.shape_cast %select_n3A_784 : vector<16xi32> to vector<16x1xi32>
    %gather3A_786 = vector.shape_cast %broadcast_in_dim3A_785 : vector<16x1xi32> to vector<16xi32>
    %gather3A_787 = tpu.dynamic_gather %select_n3A_764[%gather3A_786] in [0] : vector<16xi32>, vector<16xi32> -> vector<16xi32>
    %gt3A_788 = arith.cmpf ogt, %gather3A_777, %select_n3A_763 : vector<16xf32>
    %eq3A_789 = arith.cmpf oeq, %gather3A_777, %select_n3A_763 : vector<16xf32>
    %lt3A_790 = arith.cmpi slt, %gather3A_787, %select_n3A_764 : vector<16xi32>
    %and3A_791 = arith.andi %eq3A_789, %lt3A_790 : vector<16xi1>
    %or3A_792 = arith.ori %gt3A_788, %and3A_791 : vector<16xi1>
    %select_n3A_793 = arith.select %or3A_792, %gather3A_777, %select_n3A_763 : vector<16xi1>, vector<16xf32>
    %select_n3A_794 = arith.select %or3A_792, %gather3A_787, %select_n3A_764 : vector<16xi1>, vector<16xi32>
    %sub3A_795 = arith.subf %select_n3A_793, %select_n3A_669 : vector<16xf32>
    %exp3A_796 = math.exp %sub3A_795 : vector<16xf32>
    %add3A_797 = arith.constant 1.000000e+00 : f32
    %add3A_798 = vector.broadcast %add3A_797 : f32 to vector<16xf32>
    %add3A_799 = arith.addf %add3A_798, %exp3A_796 : vector<16xf32>
    %eq3A_800 = arith.cmpi eq, %iota3A, %select_n3A_670 : vector<16xi32>
    %div3A_801 = arith.constant 1.000000e+00 : f32
    %div3A_802 = vector.broadcast %div3A_801 : f32 to vector<16xf32>
    %div3A_803 = arith.divf %div3A_802, %add3A_799 : vector<16xf32>
    %eq3A_804 = arith.cmpi eq, %iota3A, %select_n3A_794 : vector<16xi32>
    %div3A_805 = arith.divf %exp3A_796, %add3A_799 : vector<16xf32>
    %jit3A_806 = arith.constant 0.000000e+00 : f32
    %broadcast_in_dim3A_807 = vector.broadcast %jit3A_806 : f32 to vector<16xf32>
    %select_n3A_808 = arith.select %eq3A_804, %div3A_805, %broadcast_in_dim3A_807 : vector<16xi1>, vector<16xf32>
    %select_n3A_809 = arith.select %eq3A_800, %div3A_803, %select_n3A_808 : vector<16xi1>, vector<16xf32>
    %swap3A_810 = arith.constant 2 : i32
    %swap3A_811 = arith.index_cast %swap3A_810 : i32 to index
    %swap3A_812 = arith.constant 0 : index
    %swap3A_813 = tpu.vector_load %arg6[%swap3A_811, %swap3A_812] {strides = array<i32>} : memref<4x16xf32, #tpu.memory_space<vmem>>, vector<1x16xf32>,
    %swap3A_814 = vector.shape_cast %swap3A_813 : vector<1x16xf32> to vector<16xf32>
    %swap3A_815 = vector.shape_cast %select_n3A_809 : vector<16xf32> to vector<1x16xf32>
    tpu.vector_store %arg6[%swap3A_811, %swap3A_812], %swap3A_815 {strides = array<i32>} : memref<4x16xf32, #tpu.memory_space<vmem>>, vector<1x16xf32>,
    %eq3A_816 = arith.constant 4 : i32
    %eq3A_817 = vector.broadcast %eq3A_816 : i32 to vector<16xi32>
    %eq3A_818 = arith.cmpi eq, %iota3A, %eq3A_817 : vector<16xi32>
    %select_n3A_819 = arith.select %eq3A_818, %select_n3A_670, %select_n3A_545 : vector<16xi1>, vector<16xi32>
    %eq3A_820 = arith.constant 5 : i32
    %eq3A_821 = vector.broadcast %eq3A_820 : i32 to vector<16xi32>
    %eq3A_822 = arith.cmpi eq, %iota3A, %eq3A_821 : vector<16xi32>
    %select_n3A_823 = arith.select %eq3A_822, %select_n3A_794, %select_n3A_819 : vector<16xi1>, vector<16xi32>
    %get3A_824 = arith.constant 3 : i32
    %get3A_825 = arith.index_cast %get3A_824 : i32 to index
    %get3A_826 = arith.constant 0 : index
    %get3A_827 = tpu.vector_load %arg5[%get3A_825, %get3A_826] {strides = array<i32>} : memref<4x16xf32, #tpu.memory_space<vmem>>, vector<1x16xf32>,
    %get3A_828 = vector.shape_cast %get3A_827 : vector<1x16xf32> to vector<16xf32>
    %xor3A_829 = arith.constant 8 : i32
    %xor3A_830 = vector.broadcast %xor3A_829 : i32 to vector<16xi32>
    %xor3A_831 = arith.xori %iota3A, %xor3A_830 : vector<16xi32>
    %lt3A_832 = arith.constant 0 : i32
    %lt3A_833 = vector.broadcast %lt3A_832 : i32 to vector<16xi32>
    %lt3A_834 = arith.cmpi slt, %xor3A_831, %lt3A_833 : vector<16xi32>
    %add3A_835 = arith.constant 16 : i32
    %add3A_836 = vector.broadcast %add3A_835 : i32 to vector<16xi32>
    %add3A_837 = arith.addi %xor3A_831, %add3A_836 : vector<16xi32>
    %select_n3A_838 = arith.select %lt3A_834, %add3A_837, %xor3A_831 : vector<16xi1>, vector<16xi32>
    %broadcast_in_dim3A_839 = vector.shape_cast %select_n3A_838 : vector<16xi32> to vector<16x1xi32>
    %gather3A_840 = vector.shape_cast %broadcast_in_dim3A_839 : vector<16x1xi32> to vector<16xi32>
    %gather3A_841 = tpu.dynamic_gather %get3A_828[%gather3A_840] in [0] : vector<16xf32>, vector<16xi32> -> vector<16xf32>
    %lt3A_842 = arith.constant 0 : i32
    %lt3A_843 = vector.broadcast %lt3A_842 : i32 to vector<16xi32>
    %lt3A_844 = arith.cmpi slt, %xor3A_831, %lt3A_843 : vector<16xi32>
    %add3A_845 = arith.constant 16 : i32
    %add3A_846 = vector.broadcast %add3A_845 : i32 to vector<16xi32>
    %add3A_847 = arith.addi %xor3A_831, %add3A_846 : vector<16xi32>
    %select_n3A_848 = arith.select %lt3A_844, %add3A_847, %xor3A_831 : vector<16xi1>, vector<16xi32>
    %broadcast_in_dim3A_849 = vector.shape_cast %select_n3A_848 : vector<16xi32> to vector<16x1xi32>
    %gather3A_850 = vector.shape_cast %broadcast_in_dim3A_849 : vector<16x1xi32> to vector<16xi32>
    %gather3A_851 = tpu.dynamic_gather %iota3A[%gather3A_850] in [0] : vector<16xi32>, vector<16xi32> -> vector<16xi32>
    %gt3A_852 = arith.cmpf ogt, %gather3A_841, %get3A_828 : vector<16xf32>
    %eq3A_853 = arith.cmpf oeq, %gather3A_841, %get3A_828 : vector<16xf32>
    %lt3A_854 = arith.cmpi slt, %gather3A_851, %iota3A : vector<16xi32>
    %and3A_855 = arith.andi %eq3A_853, %lt3A_854 : vector<16xi1>
    %or3A_856 = arith.ori %gt3A_852, %and3A_855 : vector<16xi1>
    %select_n3A_857 = arith.select %or3A_856, %gather3A_841, %get3A_828 : vector<16xi1>, vector<16xf32>
    %select_n3A_858 = arith.select %or3A_856, %gather3A_851, %iota3A : vector<16xi1>, vector<16xi32>
    %xor3A_859 = arith.constant 4 : i32
    %xor3A_860 = vector.broadcast %xor3A_859 : i32 to vector<16xi32>
    %xor3A_861 = arith.xori %iota3A, %xor3A_860 : vector<16xi32>
    %lt3A_862 = arith.constant 0 : i32
    %lt3A_863 = vector.broadcast %lt3A_862 : i32 to vector<16xi32>
    %lt3A_864 = arith.cmpi slt, %xor3A_861, %lt3A_863 : vector<16xi32>
    %add3A_865 = arith.constant 16 : i32
    %add3A_866 = vector.broadcast %add3A_865 : i32 to vector<16xi32>
    %add3A_867 = arith.addi %xor3A_861, %add3A_866 : vector<16xi32>
    %select_n3A_868 = arith.select %lt3A_864, %add3A_867, %xor3A_861 : vector<16xi1>, vector<16xi32>
    %broadcast_in_dim3A_869 = vector.shape_cast %select_n3A_868 : vector<16xi32> to vector<16x1xi32>
    %gather3A_870 = vector.shape_cast %broadcast_in_dim3A_869 : vector<16x1xi32> to vector<16xi32>
    %gather3A_871 = tpu.dynamic_gather %select_n3A_857[%gather3A_870] in [0] : vector<16xf32>, vector<16xi32> -> vector<16xf32>
    %lt3A_872 = arith.constant 0 : i32
    %lt3A_873 = vector.broadcast %lt3A_872 : i32 to vector<16xi32>
    %lt3A_874 = arith.cmpi slt, %xor3A_861, %lt3A_873 : vector<16xi32>
    %add3A_875 = arith.constant 16 : i32
    %add3A_876 = vector.broadcast %add3A_875 : i32 to vector<16xi32>
    %add3A_877 = arith.addi %xor3A_861, %add3A_876 : vector<16xi32>
    %select_n3A_878 = arith.select %lt3A_874, %add3A_877, %xor3A_861 : vector<16xi1>, vector<16xi32>
    %broadcast_in_dim3A_879 = vector.shape_cast %select_n3A_878 : vector<16xi32> to vector<16x1xi32>
    %gather3A_880 = vector.shape_cast %broadcast_in_dim3A_879 : vector<16x1xi32> to vector<16xi32>
    %gather3A_881 = tpu.dynamic_gather %select_n3A_858[%gather3A_880] in [0] : vector<16xi32>, vector<16xi32> -> vector<16xi32>
    %gt3A_882 = arith.cmpf ogt, %gather3A_871, %select_n3A_857 : vector<16xf32>
    %eq3A_883 = arith.cmpf oeq, %gather3A_871, %select_n3A_857 : vector<16xf32>
    %lt3A_884 = arith.cmpi slt, %gather3A_881, %select_n3A_858 : vector<16xi32>
    %and3A_885 = arith.andi %eq3A_883, %lt3A_884 : vector<16xi1>
    %or3A_886 = arith.ori %gt3A_882, %and3A_885 : vector<16xi1>
    %select_n3A_887 = arith.select %or3A_886, %gather3A_871, %select_n3A_857 : vector<16xi1>, vector<16xf32>
    %select_n3A_888 = arith.select %or3A_886, %gather3A_881, %select_n3A_858 : vector<16xi1>, vector<16xi32>
    %xor3A_889 = arith.constant 2 : i32
    %xor3A_890 = vector.broadcast %xor3A_889 : i32 to vector<16xi32>
    %xor3A_891 = arith.xori %iota3A, %xor3A_890 : vector<16xi32>
    %lt3A_892 = arith.constant 0 : i32
    %lt3A_893 = vector.broadcast %lt3A_892 : i32 to vector<16xi32>
    %lt3A_894 = arith.cmpi slt, %xor3A_891, %lt3A_893 : vector<16xi32>
    %add3A_895 = arith.constant 16 : i32
    %add3A_896 = vector.broadcast %add3A_895 : i32 to vector<16xi32>
    %add3A_897 = arith.addi %xor3A_891, %add3A_896 : vector<16xi32>
    %select_n3A_898 = arith.select %lt3A_894, %add3A_897, %xor3A_891 : vector<16xi1>, vector<16xi32>
    %broadcast_in_dim3A_899 = vector.shape_cast %select_n3A_898 : vector<16xi32> to vector<16x1xi32>
    %gather3A_900 = vector.shape_cast %broadcast_in_dim3A_899 : vector<16x1xi32> to vector<16xi32>
    %gather3A_901 = tpu.dynamic_gather %select_n3A_887[%gather3A_900] in [0] : vector<16xf32>, vector<16xi32> -> vector<16xf32>
    %lt3A_902 = arith.constant 0 : i32
    %lt3A_903 = vector.broadcast %lt3A_902 : i32 to vector<16xi32>
    %lt3A_904 = arith.cmpi slt, %xor3A_891, %lt3A_903 : vector<16xi32>
    %add3A_905 = arith.constant 16 : i32
    %add3A_906 = vector.broadcast %add3A_905 : i32 to vector<16xi32>
    %add3A_907 = arith.addi %xor3A_891, %add3A_906 : vector<16xi32>
    %select_n3A_908 = arith.select %lt3A_904, %add3A_907, %xor3A_891 : vector<16xi1>, vector<16xi32>
    %broadcast_in_dim3A_909 = vector.shape_cast %select_n3A_908 : vector<16xi32> to vector<16x1xi32>
    %gather3A_910 = vector.shape_cast %broadcast_in_dim3A_909 : vector<16x1xi32> to vector<16xi32>
    %gather3A_911 = tpu.dynamic_gather %select_n3A_888[%gather3A_910] in [0] : vector<16xi32>, vector<16xi32> -> vector<16xi32>
    %gt3A_912 = arith.cmpf ogt, %gather3A_901, %select_n3A_887 : vector<16xf32>
    %eq3A_913 = arith.cmpf oeq, %gather3A_901, %select_n3A_887 : vector<16xf32>
    %lt3A_914 = arith.cmpi slt, %gather3A_911, %select_n3A_888 : vector<16xi32>
    %and3A_915 = arith.andi %eq3A_913, %lt3A_914 : vector<16xi1>
    %or3A_916 = arith.ori %gt3A_912, %and3A_915 : vector<16xi1>
    %select_n3A_917 = arith.select %or3A_916, %gather3A_901, %select_n3A_887 : vector<16xi1>, vector<16xf32>
    %select_n3A_918 = arith.select %or3A_916, %gather3A_911, %select_n3A_888 : vector<16xi1>, vector<16xi32>
    %xor3A_919 = arith.constant 1 : i32
    %xor3A_920 = vector.broadcast %xor3A_919 : i32 to vector<16xi32>
    %xor3A_921 = arith.xori %iota3A, %xor3A_920 : vector<16xi32>
    %lt3A_922 = arith.constant 0 : i32
    %lt3A_923 = vector.broadcast %lt3A_922 : i32 to vector<16xi32>
    %lt3A_924 = arith.cmpi slt, %xor3A_921, %lt3A_923 : vector<16xi32>
    %add3A_925 = arith.constant 16 : i32
    %add3A_926 = vector.broadcast %add3A_925 : i32 to vector<16xi32>
    %add3A_927 = arith.addi %xor3A_921, %add3A_926 : vector<16xi32>
    %select_n3A_928 = arith.select %lt3A_924, %add3A_927, %xor3A_921 : vector<16xi1>, vector<16xi32>
    %broadcast_in_dim3A_929 = vector.shape_cast %select_n3A_928 : vector<16xi32> to vector<16x1xi32>
    %gather3A_930 = vector.shape_cast %broadcast_in_dim3A_929 : vector<16x1xi32> to vector<16xi32>
    %gather3A_931 = tpu.dynamic_gather %select_n3A_917[%gather3A_930] in [0] : vector<16xf32>, vector<16xi32> -> vector<16xf32>
    %lt3A_932 = arith.constant 0 : i32
    %lt3A_933 = vector.broadcast %lt3A_932 : i32 to vector<16xi32>
    %lt3A_934 = arith.cmpi slt, %xor3A_921, %lt3A_933 : vector<16xi32>
    %add3A_935 = arith.constant 16 : i32
    %add3A_936 = vector.broadcast %add3A_935 : i32 to vector<16xi32>
    %add3A_937 = arith.addi %xor3A_921, %add3A_936 : vector<16xi32>
    %select_n3A_938 = arith.select %lt3A_934, %add3A_937, %xor3A_921 : vector<16xi1>, vector<16xi32>
    %broadcast_in_dim3A_939 = vector.shape_cast %select_n3A_938 : vector<16xi32> to vector<16x1xi32>
    %gather3A_940 = vector.shape_cast %broadcast_in_dim3A_939 : vector<16x1xi32> to vector<16xi32>
    %gather3A_941 = tpu.dynamic_gather %select_n3A_918[%gather3A_940] in [0] : vector<16xi32>, vector<16xi32> -> vector<16xi32>
    %gt3A_942 = arith.cmpf ogt, %gather3A_931, %select_n3A_917 : vector<16xf32>
    %eq3A_943 = arith.cmpf oeq, %gather3A_931, %select_n3A_917 : vector<16xf32>
    %lt3A_944 = arith.cmpi slt, %gather3A_941, %select_n3A_918 : vector<16xi32>
    %and3A_945 = arith.andi %eq3A_943, %lt3A_944 : vector<16xi1>
    %or3A_946 = arith.ori %gt3A_942, %and3A_945 : vector<16xi1>
    %select_n3A_947 = arith.select %or3A_946, %gather3A_931, %select_n3A_917 : vector<16xi1>, vector<16xf32>
    %select_n3A_948 = arith.select %or3A_946, %gather3A_941, %select_n3A_918 : vector<16xi1>, vector<16xi32>
    %eq3A_949 = arith.cmpi eq, %iota3A, %select_n3A_948 : vector<16xi32>
    %jit3A_950 = arith.constant 0xFF800000 : f32
    %broadcast_in_dim3A_951 = vector.broadcast %jit3A_950 : f32 to vector<16xf32>
    %select_n3A_952 = arith.select %eq3A_949, %broadcast_in_dim3A_951, %get3A_828 : vector<16xi1>, vector<16xf32>
    %xor3A_953 = arith.constant 8 : i32
    %xor3A_954 = vector.broadcast %xor3A_953 : i32 to vector<16xi32>
    %xor3A_955 = arith.xori %iota3A, %xor3A_954 : vector<16xi32>
    %lt3A_956 = arith.constant 0 : i32
    %lt3A_957 = vector.broadcast %lt3A_956 : i32 to vector<16xi32>
    %lt3A_958 = arith.cmpi slt, %xor3A_955, %lt3A_957 : vector<16xi32>
    %add3A_959 = arith.constant 16 : i32
    %add3A_960 = vector.broadcast %add3A_959 : i32 to vector<16xi32>
    %add3A_961 = arith.addi %xor3A_955, %add3A_960 : vector<16xi32>
    %select_n3A_962 = arith.select %lt3A_958, %add3A_961, %xor3A_955 : vector<16xi1>, vector<16xi32>
    %broadcast_in_dim3A_963 = vector.shape_cast %select_n3A_962 : vector<16xi32> to vector<16x1xi32>
    %gather3A_964 = vector.shape_cast %broadcast_in_dim3A_963 : vector<16x1xi32> to vector<16xi32>
    %gather3A_965 = tpu.dynamic_gather %select_n3A_952[%gather3A_964] in [0] : vector<16xf32>, vector<16xi32> -> vector<16xf32>
    %lt3A_966 = arith.constant 0 : i32
    %lt3A_967 = vector.broadcast %lt3A_966 : i32 to vector<16xi32>
    %lt3A_968 = arith.cmpi slt, %xor3A_955, %lt3A_967 : vector<16xi32>
    %add3A_969 = arith.constant 16 : i32
    %add3A_970 = vector.broadcast %add3A_969 : i32 to vector<16xi32>
    %add3A_971 = arith.addi %xor3A_955, %add3A_970 : vector<16xi32>
    %select_n3A_972 = arith.select %lt3A_968, %add3A_971, %xor3A_955 : vector<16xi1>, vector<16xi32>
    %broadcast_in_dim3A_973 = vector.shape_cast %select_n3A_972 : vector<16xi32> to vector<16x1xi32>
    %gather3A_974 = vector.shape_cast %broadcast_in_dim3A_973 : vector<16x1xi32> to vector<16xi32>
    %gather3A_975 = tpu.dynamic_gather %iota3A[%gather3A_974] in [0] : vector<16xi32>, vector<16xi32> -> vector<16xi32>
    %gt3A_976 = arith.cmpf ogt, %gather3A_965, %select_n3A_952 : vector<16xf32>
    %eq3A_977 = arith.cmpf oeq, %gather3A_965, %select_n3A_952 : vector<16xf32>
    %lt3A_978 = arith.cmpi slt, %gather3A_975, %iota3A : vector<16xi32>
    %and3A_979 = arith.andi %eq3A_977, %lt3A_978 : vector<16xi1>
    %or3A_980 = arith.ori %gt3A_976, %and3A_979 : vector<16xi1>
    %select_n3A_981 = arith.select %or3A_980, %gather3A_965, %select_n3A_952 : vector<16xi1>, vector<16xf32>
    %select_n3A_982 = arith.select %or3A_980, %gather3A_975, %iota3A : vector<16xi1>, vector<16xi32>
    %xor3A_983 = arith.constant 4 : i32
    %xor3A_984 = vector.broadcast %xor3A_983 : i32 to vector<16xi32>
    %xor3A_985 = arith.xori %iota3A, %xor3A_984 : vector<16xi32>
    %lt3A_986 = arith.constant 0 : i32
    %lt3A_987 = vector.broadcast %lt3A_986 : i32 to vector<16xi32>
    %lt3A_988 = arith.cmpi slt, %xor3A_985, %lt3A_987 : vector<16xi32>
    %add3A_989 = arith.constant 16 : i32
    %add3A_990 = vector.broadcast %add3A_989 : i32 to vector<16xi32>
    %add3A_991 = arith.addi %xor3A_985, %add3A_990 : vector<16xi32>
    %select_n3A_992 = arith.select %lt3A_988, %add3A_991, %xor3A_985 : vector<16xi1>, vector<16xi32>
    %broadcast_in_dim3A_993 = vector.shape_cast %select_n3A_992 : vector<16xi32> to vector<16x1xi32>
    %gather3A_994 = vector.shape_cast %broadcast_in_dim3A_993 : vector<16x1xi32> to vector<16xi32>
    %gather3A_995 = tpu.dynamic_gather %select_n3A_981[%gather3A_994] in [0] : vector<16xf32>, vector<16xi32> -> vector<16xf32>
    %lt3A_996 = arith.constant 0 : i32
    %lt3A_997 = vector.broadcast %lt3A_996 : i32 to vector<16xi32>
    %lt3A_998 = arith.cmpi slt, %xor3A_985, %lt3A_997 : vector<16xi32>
    %add3A_999 = arith.constant 16 : i32
    %add3A_1000 = vector.broadcast %add3A_999 : i32 to vector<16xi32>
    %add3A_1001 = arith.addi %xor3A_985, %add3A_1000 : vector<16xi32>
    %select_n3A_1002 = arith.select %lt3A_998, %add3A_1001, %xor3A_985 : vector<16xi1>, vector<16xi32>
    %broadcast_in_dim3A_1003 = vector.shape_cast %select_n3A_1002 : vector<16xi32> to vector<16x1xi32>
    %gather3A_1004 = vector.shape_cast %broadcast_in_dim3A_1003 : vector<16x1xi32> to vector<16xi32>
    %gather3A_1005 = tpu.dynamic_gather %select_n3A_982[%gather3A_1004] in [0] : vector<16xi32>, vector<16xi32> -> vector<16xi32>
    %gt3A_1006 = arith.cmpf ogt, %gather3A_995, %select_n3A_981 : vector<16xf32>
    %eq3A_1007 = arith.cmpf oeq, %gather3A_995, %select_n3A_981 : vector<16xf32>
    %lt3A_1008 = arith.cmpi slt, %gather3A_1005, %select_n3A_982 : vector<16xi32>
    %and3A_1009 = arith.andi %eq3A_1007, %lt3A_1008 : vector<16xi1>
    %or3A_1010 = arith.ori %gt3A_1006, %and3A_1009 : vector<16xi1>
    %select_n3A_1011 = arith.select %or3A_1010, %gather3A_995, %select_n3A_981 : vector<16xi1>, vector<16xf32>
    %select_n3A_1012 = arith.select %or3A_1010, %gather3A_1005, %select_n3A_982 : vector<16xi1>, vector<16xi32>
    %xor3A_1013 = arith.constant 2 : i32
    %xor3A_1014 = vector.broadcast %xor3A_1013 : i32 to vector<16xi32>
    %xor3A_1015 = arith.xori %iota3A, %xor3A_1014 : vector<16xi32>
    %lt3A_1016 = arith.constant 0 : i32
    %lt3A_1017 = vector.broadcast %lt3A_1016 : i32 to vector<16xi32>
    %lt3A_1018 = arith.cmpi slt, %xor3A_1015, %lt3A_1017 : vector<16xi32>
    %add3A_1019 = arith.constant 16 : i32
    %add3A_1020 = vector.broadcast %add3A_1019 : i32 to vector<16xi32>
    %add3A_1021 = arith.addi %xor3A_1015, %add3A_1020 : vector<16xi32>
    %select_n3A_1022 = arith.select %lt3A_1018, %add3A_1021, %xor3A_1015 : vector<16xi1>, vector<16xi32>
    %broadcast_in_dim3A_1023 = vector.shape_cast %select_n3A_1022 : vector<16xi32> to vector<16x1xi32>
    %gather3A_1024 = vector.shape_cast %broadcast_in_dim3A_1023 : vector<16x1xi32> to vector<16xi32>
    %gather3A_1025 = tpu.dynamic_gather %select_n3A_1011[%gather3A_1024] in [0] : vector<16xf32>, vector<16xi32> -> vector<16xf32>
    %lt3A_1026 = arith.constant 0 : i32
    %lt3A_1027 = vector.broadcast %lt3A_1026 : i32 to vector<16xi32>
    %lt3A_1028 = arith.cmpi slt, %xor3A_1015, %lt3A_1027 : vector<16xi32>
    %add3A_1029 = arith.constant 16 : i32
    %add3A_1030 = vector.broadcast %add3A_1029 : i32 to vector<16xi32>
    %add3A_1031 = arith.addi %xor3A_1015, %add3A_1030 : vector<16xi32>
    %select_n3A_1032 = arith.select %lt3A_1028, %add3A_1031, %xor3A_1015 : vector<16xi1>, vector<16xi32>
    %broadcast_in_dim3A_1033 = vector.shape_cast %select_n3A_1032 : vector<16xi32> to vector<16x1xi32>
    %gather3A_1034 = vector.shape_cast %broadcast_in_dim3A_1033 : vector<16x1xi32> to vector<16xi32>
    %gather3A_1035 = tpu.dynamic_gather %select_n3A_1012[%gather3A_1034] in [0] : vector<16xi32>, vector<16xi32> -> vector<16xi32>
    %gt3A_1036 = arith.cmpf ogt, %gather3A_1025, %select_n3A_1011 : vector<16xf32>
    %eq3A_1037 = arith.cmpf oeq, %gather3A_1025, %select_n3A_1011 : vector<16xf32>
    %lt3A_1038 = arith.cmpi slt, %gather3A_1035, %select_n3A_1012 : vector<16xi32>
    %and3A_1039 = arith.andi %eq3A_1037, %lt3A_1038 : vector<16xi1>
    %or3A_1040 = arith.ori %gt3A_1036, %and3A_1039 : vector<16xi1>
    %select_n3A_1041 = arith.select %or3A_1040, %gather3A_1025, %select_n3A_1011 : vector<16xi1>, vector<16xf32>
    %select_n3A_1042 = arith.select %or3A_1040, %gather3A_1035, %select_n3A_1012 : vector<16xi1>, vector<16xi32>
    %xor3A_1043 = arith.constant 1 : i32
    %xor3A_1044 = vector.broadcast %xor3A_1043 : i32 to vector<16xi32>
    %xor3A_1045 = arith.xori %iota3A, %xor3A_1044 : vector<16xi32>
    %lt3A_1046 = arith.constant 0 : i32
    %lt3A_1047 = vector.broadcast %lt3A_1046 : i32 to vector<16xi32>
    %lt3A_1048 = arith.cmpi slt, %xor3A_1045, %lt3A_1047 : vector<16xi32>
    %add3A_1049 = arith.constant 16 : i32
    %add3A_1050 = vector.broadcast %add3A_1049 : i32 to vector<16xi32>
    %add3A_1051 = arith.addi %xor3A_1045, %add3A_1050 : vector<16xi32>
    %select_n3A_1052 = arith.select %lt3A_1048, %add3A_1051, %xor3A_1045 : vector<16xi1>, vector<16xi32>
    %broadcast_in_dim3A_1053 = vector.shape_cast %select_n3A_1052 : vector<16xi32> to vector<16x1xi32>
    %gather3A_1054 = vector.shape_cast %broadcast_in_dim3A_1053 : vector<16x1xi32> to vector<16xi32>
    %gather3A_1055 = tpu.dynamic_gather %select_n3A_1041[%gather3A_1054] in [0] : vector<16xf32>, vector<16xi32> -> vector<16xf32>
    %lt3A_1056 = arith.constant 0 : i32
    %lt3A_1057 = vector.broadcast %lt3A_1056 : i32 to vector<16xi32>
    %lt3A_1058 = arith.cmpi slt, %xor3A_1045, %lt3A_1057 : vector<16xi32>
    %add3A_1059 = arith.constant 16 : i32
    %add3A_1060 = vector.broadcast %add3A_1059 : i32 to vector<16xi32>
    %add3A_1061 = arith.addi %xor3A_1045, %add3A_1060 : vector<16xi32>
    %select_n3A_1062 = arith.select %lt3A_1058, %add3A_1061, %xor3A_1045 : vector<16xi1>, vector<16xi32>
    %broadcast_in_dim3A_1063 = vector.shape_cast %select_n3A_1062 : vector<16xi32> to vector<16x1xi32>
    %gather3A_1064 = vector.shape_cast %broadcast_in_dim3A_1063 : vector<16x1xi32> to vector<16xi32>
    %gather3A_1065 = tpu.dynamic_gather %select_n3A_1042[%gather3A_1064] in [0] : vector<16xi32>, vector<16xi32> -> vector<16xi32>
    %gt3A_1066 = arith.cmpf ogt, %gather3A_1055, %select_n3A_1041 : vector<16xf32>
    %eq3A_1067 = arith.cmpf oeq, %gather3A_1055, %select_n3A_1041 : vector<16xf32>
    %lt3A_1068 = arith.cmpi slt, %gather3A_1065, %select_n3A_1042 : vector<16xi32>
    %and3A_1069 = arith.andi %eq3A_1067, %lt3A_1068 : vector<16xi1>
    %or3A_1070 = arith.ori %gt3A_1066, %and3A_1069 : vector<16xi1>
    %select_n3A_1071 = arith.select %or3A_1070, %gather3A_1055, %select_n3A_1041 : vector<16xi1>, vector<16xf32>
    %select_n3A_1072 = arith.select %or3A_1070, %gather3A_1065, %select_n3A_1042 : vector<16xi1>, vector<16xi32>
    %sub3A_1073 = arith.subf %select_n3A_1071, %select_n3A_947 : vector<16xf32>
    %exp3A_1074 = math.exp %sub3A_1073 : vector<16xf32>
    %add3A_1075 = arith.constant 1.000000e+00 : f32
    %add3A_1076 = vector.broadcast %add3A_1075 : f32 to vector<16xf32>
    %add3A_1077 = arith.addf %add3A_1076, %exp3A_1074 : vector<16xf32>
    %eq3A_1078 = arith.cmpi eq, %iota3A, %select_n3A_948 : vector<16xi32>
    %div3A_1079 = arith.constant 1.000000e+00 : f32
    %div3A_1080 = vector.broadcast %div3A_1079 : f32 to vector<16xf32>
    %div3A_1081 = arith.divf %div3A_1080, %add3A_1077 : vector<16xf32>
    %eq3A_1082 = arith.cmpi eq, %iota3A, %select_n3A_1072 : vector<16xi32>
    %div3A_1083 = arith.divf %exp3A_1074, %add3A_1077 : vector<16xf32>
    %jit3A_1084 = arith.constant 0.000000e+00 : f32
    %broadcast_in_dim3A_1085 = vector.broadcast %jit3A_1084 : f32 to vector<16xf32>
    %select_n3A_1086 = arith.select %eq3A_1082, %div3A_1083, %broadcast_in_dim3A_1085 : vector<16xi1>, vector<16xf32>
    %select_n3A_1087 = arith.select %eq3A_1078, %div3A_1081, %select_n3A_1086 : vector<16xi1>, vector<16xf32>
    %swap3A_1088 = arith.constant 3 : i32
    %swap3A_1089 = arith.index_cast %swap3A_1088 : i32 to index
    %swap3A_1090 = arith.constant 0 : index
    %swap3A_1091 = tpu.vector_load %arg6[%swap3A_1089, %swap3A_1090] {strides = array<i32>} : memref<4x16xf32, #tpu.memory_space<vmem>>, vector<1x16xf32>,
    %swap3A_1092 = vector.shape_cast %swap3A_1091 : vector<1x16xf32> to vector<16xf32>
    %swap3A_1093 = vector.shape_cast %select_n3A_1087 : vector<16xf32> to vector<1x16xf32>
    tpu.vector_store %arg6[%swap3A_1089, %swap3A_1090], %swap3A_1093 {strides = array<i32>} : memref<4x16xf32, #tpu.memory_space<vmem>>, vector<1x16xf32>,
    %eq3A_1094 = arith.constant 6 : i32
    %eq3A_1095 = vector.broadcast %eq3A_1094 : i32 to vector<16xi32>
    %eq3A_1096 = arith.cmpi eq, %iota3A, %eq3A_1095 : vector<16xi32>
    %select_n3A_1097 = arith.select %eq3A_1096, %select_n3A_948, %select_n3A_823 : vector<16xi1>, vector<16xi32>
    %eq3A_1098 = arith.constant 7 : i32
    %eq3A_1099 = vector.broadcast %eq3A_1098 : i32 to vector<16xi32>
    %eq3A_1100 = arith.cmpi eq, %iota3A, %eq3A_1099 : vector<16xi32>
    %select_n3A_1101 = arith.select %eq3A_1100, %select_n3A_1072, %select_n3A_1097 : vector<16xi1>, vector<16xi32>
    %swap3A_1102 = arith.constant 0 : index
    %swap3A_1103 = tpu.vector_load %arg7[%swap3A_1102] {strides = array<i32>} : memref<16xi32, #tpu.memory_space<vmem>>, vector<16xi32>,
    %swap3A_1104 = vector.shape_cast %swap3A_1103 : vector<16xi32> to vector<16xi32>
    %swap3A_1105 = vector.shape_cast %select_n3A_1101 : vector<16xi32> to vector<16xi32>
    tpu.vector_store %arg7[%swap3A_1102], %swap3A_1105 {strides = array<i32>} : memref<16xi32, #tpu.memory_space<vmem>>, vector<16xi32>,
    "tpu.region"() ({
      %run_scoped3A = tpu.sem_alloc : memref<!tpu.dma_semaphore, #tpu.memory_space<semaphore_mem>>
      %dma_start3A = arith.constant 0 : i32
      %dma_start3A_1108 = tpu.memref_slice %arg3[%mul3A_2, %dma_start3A] : memref<128x16xf32, #tpu.memory_space<hbm>> -> memref<4x16xf32, #tpu.memory_space<hbm>>
      %dma_start3A_1109 = arith.constant 0 : i32
      %dma_start3A_1110 = tpu.memref_slice %arg3[%mul3A_2, %dma_start3A_1109] : memref<128x16xf32, #tpu.memory_space<hbm>> -> memref<4x16xf32, #tpu.memory_space<hbm>>
      tpu.enqueue_dma source(%arg6 : memref<4x16xf32, #tpu.memory_space<vmem>>) target(%dma_start3A_1110 : memref<4x16xf32, #tpu.memory_space<hbm>>) target_semaphore(%run_scoped3A : memref<!tpu.dma_semaphore, #tpu.memory_space<semaphore_mem>>)
      %dma_wait3A = arith.constant 0 : i32
      %dma_wait3A_1111 = tpu.memref_slice %arg3[%mul3A_2, %dma_wait3A] : memref<128x16xf32, #tpu.memory_space<hbm>> -> memref<4x16xf32, #tpu.memory_space<hbm>>
      %dma_wait3A_1112 = arith.constant 0 : i32
      %dma_wait3A_1113 = tpu.memref_slice %arg3[%mul3A_2, %dma_wait3A_1112] : memref<128x16xf32, #tpu.memory_space<hbm>> -> memref<4x16xf32, #tpu.memory_space<hbm>>
      tpu.wait_dma2 semaphore(%run_scoped3A : memref<!tpu.dma_semaphore, #tpu.memory_space<semaphore_mem>>) src(%arg6 : memref<4x16xf32, #tpu.memory_space<vmem>>) dst(%dma_wait3A_1113 : memref<4x16xf32, #tpu.memory_space<hbm>>)
      tpu.yield
    }) : () -> ()
    %mul3A_1106 = arith.constant 2 : i32
    %mul3A_1107 = arith.muli %mul3A_1106, %mul3A_2 : i32
    "tpu.region"() ({
      %run_scoped3A = tpu.sem_alloc : memref<!tpu.dma_semaphore, #tpu.memory_space<semaphore_mem>>
      %dma_start3A = arith.constant 0 : i32
      %dma_start3A_1108 = tpu.memref_slice %arg7[%dma_start3A] : memref<16xi32, #tpu.memory_space<vmem>> -> memref<8xi32, #tpu.memory_space<vmem>>
      %dma_start3A_1109 = tpu.memref_slice %arg4[%mul3A_1107] : memref<256xi32, #tpu.memory_space<hbm>> -> memref<8xi32, #tpu.memory_space<hbm>>
      %dma_start3A_1110 = tpu.memref_slice %arg4[%mul3A_1107] : memref<256xi32, #tpu.memory_space<hbm>> -> memref<8xi32, #tpu.memory_space<hbm>>
      %dma_start3A_1111 = arith.constant 0 : i32
      %dma_start3A_1112 = tpu.memref_slice %arg7[%dma_start3A_1111] : memref<16xi32, #tpu.memory_space<vmem>> -> memref<8xi32, #tpu.memory_space<vmem>>
      tpu.enqueue_dma source(%dma_start3A_1112 : memref<8xi32, #tpu.memory_space<vmem>>) target(%dma_start3A_1110 : memref<8xi32, #tpu.memory_space<hbm>>) target_semaphore(%run_scoped3A : memref<!tpu.dma_semaphore, #tpu.memory_space<semaphore_mem>>)
      %dma_wait3A = arith.constant 0 : i32
      %dma_wait3A_1113 = tpu.memref_slice %arg7[%dma_wait3A] : memref<16xi32, #tpu.memory_space<vmem>> -> memref<8xi32, #tpu.memory_space<vmem>>
      %dma_wait3A_1114 = tpu.memref_slice %arg4[%mul3A_1107] : memref<256xi32, #tpu.memory_space<hbm>> -> memref<8xi32, #tpu.memory_space<hbm>>
      %dma_wait3A_1115 = tpu.memref_slice %arg4[%mul3A_1107] : memref<256xi32, #tpu.memory_space<hbm>> -> memref<8xi32, #tpu.memory_space<hbm>>
      %dma_wait3A_1116 = arith.constant 0 : i32
      %dma_wait3A_1117 = tpu.memref_slice %arg7[%dma_wait3A_1116] : memref<16xi32, #tpu.memory_space<vmem>> -> memref<8xi32, #tpu.memory_space<vmem>>
      tpu.wait_dma2 semaphore(%run_scoped3A : memref<!tpu.dma_semaphore, #tpu.memory_space<semaphore_mem>>) src(%dma_wait3A_1117 : memref<8xi32, #tpu.memory_space<vmem>>) dst(%dma_wait3A_1115 : memref<8xi32, #tpu.memory_space<hbm>>)
      tpu.yield
    }) : () -> ()
    return
  }
}

module attributes {stable_mosaic.version = 14 : i64} {
  func.func @_pool_body(%arg0: i32, %arg1: memref<28x128x768xf32, #tpu.memory_space<vmem>>, %arg2: memref<16x768xf32, #tpu.memory_space<vmem>>, %arg3: memref<1x16xf32, #tpu.memory_space<vmem>>, %arg4: memref<16x768xf32, #tpu.memory_space<vmem>>, %arg5: memref<1x16xf32, #tpu.memory_space<vmem>>, %arg6: memref<16x128xf32, #tpu.memory_space<vmem>>, %arg7: memref<128x16xf32, #tpu.memory_space<vmem>>, %arg8: memref<128x768xf32, #tpu.memory_space<vmem>>, %arg9: memref<128x768xf32, #tpu.memory_space<vmem>>) attributes {dimension_semantics = [#tpu.dimension_semantics<arbitrary>], iteration_bounds = array<i64: 7>, scalar_prefetch = 0 : i64, scratch_operands = 2 : i64, tpu.core_type = #tpu.core_type<tc>, window_params = [{transform_indices = @transform_0, window_bounds = array<i64: 28, 128, 768>}, {pipeline_mode = #tpu.pipeline_mode<synchronous>, transform_indices = @transform_1, window_bounds = array<i64: 16, 768>}, {pipeline_mode = #tpu.pipeline_mode<synchronous>, transform_indices = @transform_2, window_bounds = array<i64: 1, 16>}, {pipeline_mode = #tpu.pipeline_mode<synchronous>, transform_indices = @transform_3, window_bounds = array<i64: 16, 768>}, {pipeline_mode = #tpu.pipeline_mode<synchronous>, transform_indices = @transform_4, window_bounds = array<i64: 1, 16>}, {pipeline_mode = #tpu.pipeline_mode<synchronous>, transform_indices = @transform_5, window_bounds = array<i64: 16, 128>}, {pipeline_mode = #tpu.pipeline_mode<synchronous>, transform_indices = @transform_6, window_bounds = array<i64: 128, 16>}]} {
    %get3A = arith.constant 0 : index
    %get3A_0 = arith.constant 0 : index
    %get3A_1 = arith.constant 0 : index
    %get3A_2 = vector.load %arg1[%get3A, %get3A_0, %get3A_1] : memref<28x128x768xf32, #tpu.memory_space<vmem>>, vector<28x128x768xf32>
    %reduce_sum3A = arith.constant dense<0.000000e+00> : vector<128x768xf32>
    %reduce_sum3A_3 = vector.multi_reduction <add>, %get3A_2, %reduce_sum3A [0] : vector<28x128x768xf32> to vector<128x768xf32>
    %reduce_max3A = arith.constant dense<0xFF800000> : vector<128x768xf32>
    %reduce_max3A_4 = vector.multi_reduction <maximumf>, %get3A_2, %reduce_max3A [0] : vector<28x128x768xf32> to vector<128x768xf32>
    %eq3A = arith.constant 0 : i32
    %eq3A_5 = arith.cmpi eq, %arg0, %eq3A : i32
    %convert_element_type3A = arith.extui %eq3A_5 : i1 to i32
    %cond3A = arith.constant 0 : i32
    %cond3A_6 = arith.cmpi ne, %convert_element_type3A, %cond3A : i32
    scf.if %cond3A_6 {
      %swap3A = arith.constant 0 : index
      %swap3A_16 = arith.constant 0 : index
      %swap3A_17 = vector.load %arg8[%swap3A, %swap3A_16] : memref<128x768xf32, #tpu.memory_space<vmem>>, vector<128x768xf32>
      tpu.vector_store %arg8[%swap3A, %swap3A_16], %reduce_sum3A_3 {strides = array<i32>} : memref<128x768xf32, #tpu.memory_space<vmem>>, vector<128x768xf32>,
      %swap3A_18 = arith.constant 0 : index
      %swap3A_19 = arith.constant 0 : index
      %swap3A_20 = vector.load %arg9[%swap3A_18, %swap3A_19] : memref<128x768xf32, #tpu.memory_space<vmem>>, vector<128x768xf32>
      tpu.vector_store %arg9[%swap3A_18, %swap3A_19], %reduce_max3A_4 {strides = array<i32>} : memref<128x768xf32, #tpu.memory_space<vmem>>, vector<128x768xf32>,
    } else {
    }
    %gt3A = arith.constant 0 : i32
    %gt3A_7 = arith.cmpi sgt, %arg0, %gt3A : i32
    %convert_element_type3A_8 = arith.extui %gt3A_7 : i1 to i32
    %cond3A_9 = arith.constant 0 : i32
    %cond3A_10 = arith.cmpi ne, %convert_element_type3A_8, %cond3A_9 : i32
    scf.if %cond3A_10 {
      %get3A_16 = arith.constant 0 : index
      %get3A_17 = arith.constant 0 : index
      %get3A_18 = vector.load %arg8[%get3A_16, %get3A_17] : memref<128x768xf32, #tpu.memory_space<vmem>>, vector<128x768xf32>
      %add3A = arith.addf %get3A_18, %reduce_sum3A_3 : vector<128x768xf32>
      %swap3A = arith.constant 0 : index
      %swap3A_19 = arith.constant 0 : index
      %swap3A_20 = vector.load %arg8[%swap3A, %swap3A_19] : memref<128x768xf32, #tpu.memory_space<vmem>>, vector<128x768xf32>
      tpu.vector_store %arg8[%swap3A, %swap3A_19], %add3A {strides = array<i32>} : memref<128x768xf32, #tpu.memory_space<vmem>>, vector<128x768xf32>,
      %get3A_21 = arith.constant 0 : index
      %get3A_22 = arith.constant 0 : index
      %get3A_23 = vector.load %arg9[%get3A_21, %get3A_22] : memref<128x768xf32, #tpu.memory_space<vmem>>, vector<128x768xf32>
      %max3A = arith.maximumf %get3A_23, %reduce_max3A_4 : vector<128x768xf32>
      %swap3A_24 = arith.constant 0 : index
      %swap3A_25 = arith.constant 0 : index
      %swap3A_26 = vector.load %arg9[%swap3A_24, %swap3A_25] : memref<128x768xf32, #tpu.memory_space<vmem>>, vector<128x768xf32>
      tpu.vector_store %arg9[%swap3A_24, %swap3A_25], %max3A {strides = array<i32>} : memref<128x768xf32, #tpu.memory_space<vmem>>, vector<128x768xf32>,
    } else {
    }
    %eq3A_11 = arith.constant 6 : i32
    %eq3A_12 = arith.cmpi eq, %arg0, %eq3A_11 : i32
    %convert_element_type3A_13 = arith.extui %eq3A_12 : i1 to i32
    %cond3A_14 = arith.constant 0 : i32
    %cond3A_15 = arith.cmpi ne, %convert_element_type3A_13, %cond3A_14 : i32
    scf.if %cond3A_15 {
      %get3A_16 = arith.constant 0 : index
      %get3A_17 = arith.constant 0 : index
      %get3A_18 = vector.load %arg8[%get3A_16, %get3A_17] : memref<128x768xf32, #tpu.memory_space<vmem>>, vector<128x768xf32>
      %mul3A = arith.constant 0.00510204071 : f32
      %mul3A_19 = vector.broadcast %mul3A : f32 to vector<128x768xf32>
      %mul3A_20 = arith.mulf %get3A_18, %mul3A_19 : vector<128x768xf32>
      %get3A_21 = arith.constant 0 : index
      %get3A_22 = arith.constant 0 : index
      %get3A_23 = vector.load %arg9[%get3A_21, %get3A_22] : memref<128x768xf32, #tpu.memory_space<vmem>>, vector<128x768xf32>
      %add3A = arith.addf %mul3A_20, %get3A_23 : vector<128x768xf32>
      %convert_element_type3A_24 = arith.truncf %add3A : vector<128x768xf32> to vector<128x768xbf16>
      %get3A_25 = arith.constant 0 : index
      %get3A_26 = arith.constant 0 : index
      %get3A_27 = vector.load %arg2[%get3A_25, %get3A_26] : memref<16x768xf32, #tpu.memory_space<vmem>>, vector<16x768xf32>
      %convert_element_type3A_28 = arith.truncf %get3A_27 : vector<16x768xf32> to vector<16x768xbf16>
      %dot_general3A = arith.constant dense<0.000000e+00> : vector<128x16xf32>
      %dot_general3A_29 = tpu.matmul %convert_element_type3A_24, %convert_element_type3A_28, %dot_general3A {dimension_numbers = #tpu.dot_dimension_numbers<[1], [1], [0], [0], [0, 0, 1, 0], [], []>, transpose_lhs_hint = false} : vector<128x768xbf16>, vector<16x768xbf16>, vector<128x16xf32> -> vector<128x16xf32>
      %get3A_30 = arith.constant 0 : index
      %get3A_31 = arith.constant 0 : index
      %get3A_32 = vector.load %arg3[%get3A_30, %get3A_31] : memref<1x16xf32, #tpu.memory_space<vmem>>, vector<1x16xf32>
      %add3A_33 = vector.broadcast %get3A_32 : vector<1x16xf32> to vector<128x16xf32>
      %add3A_34 = arith.addf %dot_general3A_29, %add3A_33 : vector<128x16xf32>
      %get3A_35 = arith.constant 0 : index
      %get3A_36 = arith.constant 0 : index
      %get3A_37 = vector.load %arg4[%get3A_35, %get3A_36] : memref<16x768xf32, #tpu.memory_space<vmem>>, vector<16x768xf32>
      %convert_element_type3A_38 = arith.truncf %get3A_37 : vector<16x768xf32> to vector<16x768xbf16>
      %dot_general3A_39 = arith.constant dense<0.000000e+00> : vector<128x16xf32>
      %dot_general3A_40 = tpu.matmul %convert_element_type3A_24, %convert_element_type3A_38, %dot_general3A_39 {dimension_numbers = #tpu.dot_dimension_numbers<[1], [1], [0], [0], [0, 0, 1, 0], [], []>, transpose_lhs_hint = false} : vector<128x768xbf16>, vector<16x768xbf16>, vector<128x16xf32> -> vector<128x16xf32>
      %get3A_41 = arith.constant 0 : index
      %get3A_42 = arith.constant 0 : index
      %get3A_43 = vector.load %arg5[%get3A_41, %get3A_42] : memref<1x16xf32, #tpu.memory_space<vmem>>, vector<1x16xf32>
      %add3A_44 = vector.broadcast %get3A_43 : vector<1x16xf32> to vector<128x16xf32>
      %add3A_45 = arith.addf %dot_general3A_40, %add3A_44 : vector<128x16xf32>
      %get3A_46 = arith.constant 0 : index
      %get3A_47 = arith.constant 0 : index
      %get3A_48 = vector.load %arg6[%get3A_46, %get3A_47] : memref<16x128xf32, #tpu.memory_space<vmem>>, vector<16x128xf32>
      %transpose3A = tpu.transpose %get3A_48, [1, 0] : vector<16x128xf32> -> vector<128x16xf32>
      %custom_jvp_call3A = arith.constant 0.000000e+00 : f32
      %max3A = vector.broadcast %custom_jvp_call3A : f32 to vector<128x16xf32>
      %max3A_49 = arith.maximumf %add3A_45, %max3A : vector<128x16xf32>
      %sub3A = vector.broadcast %custom_jvp_call3A : f32 to vector<128x16xf32>
      %sub3A_50 = arith.subf %add3A_45, %sub3A : vector<128x16xf32>
      %ne3A = arith.cmpf one, %sub3A_50, %sub3A_50 : vector<128x16xf32>
      %add3A_51 = vector.broadcast %custom_jvp_call3A : f32 to vector<128x16xf32>
      %add3A_52 = arith.addf %add3A_45, %add3A_51 : vector<128x16xf32>
      %abs3A = math.absf %sub3A_50 : vector<128x16xf32>
      %neg3A = arith.constant 0.000000e+00 : f32
      %neg3A_53 = vector.broadcast %neg3A : f32 to vector<128x16xf32>
      %neg3A_54 = arith.subf %neg3A_53, %abs3A : vector<128x16xf32>
      %exp3A = math.exp %neg3A_54 : vector<128x16xf32>
      %log1p3A = math.log1p %exp3A : vector<128x16xf32>
      %add3A_55 = arith.addf %max3A_49, %log1p3A : vector<128x16xf32>
      %select_n3A = arith.select %ne3A, %add3A_52, %add3A_55 : vector<128x16xi1>, vector<128x16xf32>
      %mul3A_56 = arith.mulf %transpose3A, %select_n3A : vector<128x16xf32>
      %add3A_57 = arith.addf %add3A_34, %mul3A_56 : vector<128x16xf32>
      %swap3A = arith.constant 0 : index
      %swap3A_58 = arith.constant 0 : index
      %swap3A_59 = vector.load %arg7[%swap3A, %swap3A_58] : memref<128x16xf32, #tpu.memory_space<vmem>>, vector<128x16xf32>
      tpu.vector_store %arg7[%swap3A, %swap3A_58], %add3A_57 {strides = array<i32>} : memref<128x16xf32, #tpu.memory_space<vmem>>, vector<128x16xf32>,
    } else {
    }
    return
  }
  func.func @transform_0(%arg0: i32) -> (i32, i32, i32) {
    %c0_i32 = arith.constant 0 : i32
    %c0_i32_0 = arith.constant 0 : i32
    %c0_i32_1 = arith.constant 0 : i32
    return %arg0, %c0_i32, %c0_i32_0 : i32, i32, i32
  }
  func.func @transform_1(%arg0: i32) -> (i32, i32) {
    %c0_i32 = arith.constant 0 : i32
    %c0_i32_0 = arith.constant 0 : i32
    %c0_i32_1 = arith.constant 0 : i32
    return %c0_i32, %c0_i32_0 : i32, i32
  }
  func.func @transform_2(%arg0: i32) -> (i32, i32) {
    %c0_i32 = arith.constant 0 : i32
    %c0_i32_0 = arith.constant 0 : i32
    %c0_i32_1 = arith.constant 0 : i32
    return %c0_i32, %c0_i32_0 : i32, i32
  }
  func.func @transform_3(%arg0: i32) -> (i32, i32) {
    %c0_i32 = arith.constant 0 : i32
    %c0_i32_0 = arith.constant 0 : i32
    %c0_i32_1 = arith.constant 0 : i32
    return %c0_i32, %c0_i32_0 : i32, i32
  }
  func.func @transform_4(%arg0: i32) -> (i32, i32) {
    %c0_i32 = arith.constant 0 : i32
    %c0_i32_0 = arith.constant 0 : i32
    %c0_i32_1 = arith.constant 0 : i32
    return %c0_i32, %c0_i32_0 : i32, i32
  }
  func.func @transform_5(%arg0: i32) -> (i32, i32) {
    %c0_i32 = arith.constant 0 : i32
    %c0_i32_0 = arith.constant 0 : i32
    %c0_i32_1 = arith.constant 0 : i32
    return %c0_i32, %c0_i32_0 : i32, i32
  }
  func.func @transform_6(%arg0: i32) -> (i32, i32) {
    %c0_i32 = arith.constant 0 : i32
    %c0_i32_0 = arith.constant 0 : i32
    %c0_i32_1 = arith.constant 0 : i32
    return %c0_i32, %c0_i32_0 : i32, i32
  }
}

</mosaic_0001>

<sc_bundles>
// kernel: kernel.4.cloned.1.call-start
scs
__scs_entry_jumppad:
0x0: {  	(pc) =	sbr.rel $0x88, $3  }
0x1: {  	(tag) =	ssettag $0x0;
	lr =	simm.s32 $0x1  }
0x2: {  	[smem:$0x3F9B] =	sst lr;
	_ =	strace $0xD0000000  }
0x3: {  	_ = 	snop  }
0x4: {  	_ = 	snop  }
0x5: {  	_ = 	snop  }
0x6: {  	_ = 	snop  }
0x7: {  	_ = 	snop  }
__scs_overlays_trampoline_lowered:
0x8: {  	[smem:$0x3FAA] =	sst s0  }
0x9: {  	[smem:$0x3FAB] =	sst s1  }
0xa: {  	[smem:$0x3FAC] =	sst s2  }
0xb: {  	[smem:$0x3FAD] =	sst s3  }
0xc: {  	[smem:$0x3FAE] =	sst s4  }
0xd: {  	[smem:$0x3FAF] =	sst s5  }
0xe: {  	[smem:$0x3FB0] =	sst s6  }
0xf: {  	[smem:$0x3FB1] =	sst s7  }
0x10: {  	[smem:$0x3FB2] =	sst s8  }
0x11: {  	[smem:$0x3FB3] =	sst s9;
	s0 =	simm.s32 @!p0 $0x0  }
0x12: {  	s1 =	sld [smem:$0x3F99];
	s0 =	simm.s32 @p0 $0x1  }
0x13: {  	[smem:$0x3FB4] =	sst s0;
	s0 =	simm.s32 @!p1 $0x0  }
0x14: {  	s2 =	sld [smem:$0x3F98];
	s0 =	simm.s32 @p1 $0x1  }
0x15: {  	[smem:$0x3FB5] =	sst s0;
	s0 =	simm.s32 @!p2 $0x0  }
0x16: {  	s3 =	sld [smem:$0x3FDB];
	s0 =	simm.s32 @p2 $0x1  }
0x17: {  	s4 =	simm.s32 $0x1BF5;
	[smem:$0x3FB7] =	sst s0  }
0x18: {  	s0 =	sld [smem:$0x3F9A];
	_ =	swait.ge [sflag:s4], $0x0  }
0x19: {  	s7 =	sld [smem:$0x3F9B]  }
0x1a: {  	s8 =	sadd.s32 $0xFFFFE003, lr  }
0x1b: {  	s9 =	sadd.s32 $0xFFFFFEF7, lr;
	s5 =	simm.s32 $0xFFFFFFFF;
	p2 =	slt.u32 s8, $0xFFFFF086  }
0x1c: {  	p1 =	slt.u32 s9, $0xF7A;
	s5 =	simm.s32 @!p2 $0x0  }
0x1d: {  	s5 =	simm.s32 @p1 $0x1;
	p0 =	seq.s32 s7, s2  }
0x1e: {  	s7 =	smul.u32 @!p0 $0xF7A, s2;
	p2 =	seq.s32 @!p0 s5, $0x0  }
0x1f: {  	s9 =	smul.u32 $0xF7A, s1;
	s8 =	simm.s32 @!p0 $0x1BF5;
	p2 =	por !p2, p0  }
0x20: {  	[sflag:s8] =	ssyncset.s32 @!p0 $0xFFFFF086;
	s6 =	sadd.s32 @!p0 s3, s7;
	s7 =	simm.s32 @!p0 $0x108  }
0x21: {  	s3 =	sadd.s32 s3, s9;
	s6 =	sadd.s32 @!p0 $0x88, s6;
	s7 =	simm.s32 @p2 $0x1082  }
0x22: {  	[simem:s7], [sflag:s8] =	dma.local @!p0 [hbm:s6], $0xF7A  }
0x23: {  	s9 =	sor.u32 $0xD0000000, s2;
	s6 =	simm.s32 $0x108;
	_ =	swait.ge @!p0 [sflag:s8], $0x0  }
0x24: {  	s3 =	sadd.s32 $0x88, s3;
	s6 =	simm.s32 @!p1 $0x1082;
	[sflag:s4] =	ssyncset.s32 $0xFFFFF086  }
0x25: {  	[simem:s6], [sflag:s4] =	dma.local [hbm:s3], $0xF7A  }
0x26: {  	[smem:$0x3F9B] =	sst s1;
	(tag) =	ssettag s2;
	_ =	strace s9  }
0x27: {  	s1 =	sld [smem:$0x3FAB]  }
0x28: {  	s2 =	sld [smem:$0x3FAC]  }
0x29: {  	s4 =	sld [smem:$0x3FAE]  }
0x2a: {  	p0 =	seq.s32 s5, $0x0;
	s5 =	sld [smem:$0x3FAF]  }
0x2b: {  	s6 =	sld [smem:$0x3FB0]  }
0x2c: {  	s7 =	sld [smem:$0x3FB1]  }
0x2d: {  	s3 =	simm.s32 $0x108;
	s8 =	sld [smem:$0x3FB2]  }
0x2e: {  	s3 =	simm.s32 @!p0 $0x1082;
	s9 =	sld [smem:$0x3FB3]  }
0x2f: {  	lr =	sadd.s32 s0, s3;
	s0 =	sld [smem:$0x3FAA]  }
0x30: {  	s3 =	sld [smem:$0x3FAD]  }
0x31: {  	[smem:$0x3FB6] =	sst s10  }
0x32: {  	s10 =	sld [smem:$0x3FB4];
	_ =	sdelay $0x3  }
0x33: {  	p0 =	seq.s32 s10, $0x1;
	s10 =	sld [smem:$0x3FB6];
	_ =	sdelay $0x3  }
0x34: {  	[smem:$0x3FB6] =	sst s10  }
0x35: {  	s10 =	sld [smem:$0x3FB5];
	_ =	sdelay $0x3  }
0x36: {  	p1 =	seq.s32 s10, $0x1;
	s10 =	sld [smem:$0x3FB6];
	_ =	sdelay $0x3  }
0x37: {  	[smem:$0x3FB6] =	sst s10  }
0x38: {  	s10 =	sld [smem:$0x3FB7]  }
0x39: {  	_ = 	snop;
	(pc) =	sbr.ind lr, $3  }
0x3a: {  	_ = 	snop  }
0x3b: {  	_ = 	snop  }
0x3c: {  	p2 =	seq.s32 s10, $0x1;
	s10 =	sld [smem:$0x3FB6]  }
0x3d: {  	_ =	shalt  }
0x3e: {  	_ =	shalt  }
0x3f: {  	_ =	shalt  }
0x40: {  	_ =	shalt  }
0x41: {  	_ =	shalt  }
0x42: {  	_ =	shalt  }
0x43: {  	_ =	shalt  }
0x44: {  	_ =	shalt  }
0x45: {  	_ =	shalt  }
0x46: {  	_ =	shalt  }
0x47: {  	_ =	shalt  }
0x48: {  	_ =	shalt  }
0x49: {  	_ =	shalt  }
0x4a: {  	_ =	shalt  }
0x4b: {  	_ =	shalt  }
0x4c: {  	_ =	shalt  }
0x4d: {  	_ =	shalt  }
0x4e: {  	_ =	shalt  }
0x4f: {  	_ =	shalt  }
0x50: {  	_ =	shalt  }
0x51: {  	_ =	shalt  }
0x52: {  	_ =	shalt  }
0x53: {  	_ =	shalt  }
0x54: {  	_ =	shalt  }
0x55: {  	_ =	shalt  }
0x56: {  	_ =	shalt  }
0x57: {  	_ =	shalt  }
0x58: {  	_ =	shalt  }
0x59: {  	_ =	shalt  }
0x5a: {  	_ =	shalt  }
0x5b: {  	_ =	shalt  }
0x5c: {  	_ =	shalt  }
0x5d: {  	_ =	shalt  }
0x5e: {  	_ =	shalt  }
0x5f: {  	_ =	shalt  }
0x60: {  	_ =	shalt  }
0x61: {  	_ =	shalt  }
0x62: {  	_ =	shalt  }
0x63: {  	_ =	shalt  }
0x64: {  	_ =	shalt  }
0x65: {  	_ =	shalt  }
0x66: {  	_ =	shalt  }
0x67: {  	_ =	shalt  }
0x68: {  	_ =	shalt  }
0x69: {  	_ =	shalt  }
0x6a: {  	_ =	shalt  }
0x6b: {  	_ =	shalt  }
0x6c: {  	_ =	shalt  }
0x6d: {  	_ =	shalt  }
0x6e: {  	_ =	shalt  }
0x6f: {  	_ =	shalt  }
0x70: {  	_ =	shalt  }
0x71: {  	_ =	shalt  }
0x72: {  	_ =	shalt  }
0x73: {  	_ =	shalt  }
0x74: {  	_ =	shalt  }
0x75: {  	_ =	shalt  }
0x76: {  	_ =	shalt  }
0x77: {  	_ =	shalt  }
0x78: {  	_ =	shalt  }
0x79: {  	_ =	shalt  }
0x7a: {  	_ =	shalt  }
0x7b: {  	_ =	shalt  }
0x7c: {  	_ =	shalt  }
0x7d: {  	_ =	shalt  }
0x7e: {  	_ =	shalt  }
0x7f: {  	_ =	shalt  }
0x80: {  	_ =	shalt  }
0x81: {  	_ =	shalt  }
0x82: {  	_ =	shalt  }
0x83: {  	_ =	shalt  }
0x84: {  	_ =	shalt  }
0x85: {  	_ =	shalt  }
0x86: {  	_ =	shalt  }
0x87: {  	_ =	shalt  }
.Lfunc_end0:
.L_simem_size_0:
called_computation_lowered:
.L_overlay_start_0:
0x88: {  	s2 =	sld [smem:$0x3FD9]  }
0x89: {  	s3 =	sld [smem:$0x3FFE];
	_ =	sdelay $0x1  }
0x8a: {  	s1 =	srdreg.scid  }
0x8b: {  	s0 =	sand.u32 $0x1, s1  }
0x8c: {  	s14 =	sshll.u32 s0, $0xA;
	s2 =	sadd.s32 s3, s2  }
0x8d: {  	s2 =	sadd.s32 s2, s14  }
0x8e: {  	[smem:$0x3FC2] =	sst s2  }
0x8f: {  	_ = 	snop  }
0x90: {  	s2 =	sld [smem:$0x3FD0];
	_ =	sdelay $0x2  }
0x91: {  	s15 =	simm.s32 $0xA;
	s4 =	simm.s32 $0x10  }
0x92: {  	[smem:s4], [sflag:s15] =	dma.local [hbm:s2], $0x1  }
0x93: {  	_ =	swait.eq [sflag:s15], $0x1  }
0x94: {  	[sflag:s15] =	ssyncset.done $0x0  }
0x95: {  	[sflag:s15] =	ssyncadd.s32 $0xFFFFFFFF  }
0x96: {  	s16 =	sld [smem:$0x11];
	(tm) =	ssettm $0x1  }
0x97: {  	s17 =	sld [smem:$0x3FFB];
	_ =	sdelay $0x3  }
0x98: {  	_ =	strace s17  }
0x99: {  	s3 =	sld [smem:$0x3FFC];
	_ =	sdelay $0x3  }
0x9a: {  	_ =	strace s3  }
0x9b: {  	s3 =	sld [smem:$0x3FFD];
	_ =	sdelay $0x3  }
0x9c: {  	_ =	strace s3  }
0x9d: {  	_ =	strace $0x8FFFFFFF  }
0x9e: {  	s18 =	sld [smem:$0x3FDB];
	_ =	sdelay $0x1  }
0x9f: {  	s19 =	simm.s32 $_scs_section_size  }
0xa0: {  	s5 =	simm.s32 $_size__tile_overlayer_lowered;
	s6 =	simm.s32 $_tile_overlayer_lowered  }
0xa1: {  	s22 =	simm.s32 $0x1BFF;
	s21 =	sshll.u32 s6, $0x1;
	s3 =	sadd.s32 s19, s18  }
0xa2: {  	s7 =	simm.s32 $0x0;
	s20 =	sshll.u32 s5, $0x1;
	s5 =	sadd.s32 s21, s3  }
0xa3: {  	[timem:s7], [sflag:s22] =	dma.local [hbm:s5], s20  }
0xa4: {  	_ =	swait.ge [sflag:s22], s20  }
0xa5: {  	s4 =	ssub.s32 $0x0, s20;
	[sflag:s22] =	ssyncset.done $0x0  }
0xa6: {  	[sflag:s22] =	ssyncadd.s32 s4;
	_ =	sdelay $0x1  }
0xa7: {  	s23 =	simm.s32 $0x1B8B  }
0xa8: {  	_ =	swait.ge [sflag:s23], $0x1  }
0xa9: {  	[sflag:s23] =	ssyncset.done $0x0  }
0xaa: {  	s25 =	simm.s32 $0x1B8E;
	s24 =	sld [smem:$0x3FFE];
	[sflag:s23] =	ssyncadd.s32 $0xFFFFFFFF  }
0xab: {  	s26 =	simm.s32 $execute0_lowered;
	[smem:$0x3FD2] =	sst s25  }
0xac: {  	s5 =	sshll.u32 s26, $0x1;
	_ =	strace $0x80000046;
	[dreg:$0x1] =	wrdreg $0xFFFFFFFF  }
0xad: {  	s28 =	simm.s32 $_size_execute0_lowered;
	s3 =	sadd.s32 s3, s5;
	[dreg:$0x0] =	wrdreg $0x0  }
0xae: {  	s5 =	sshll.u32 s28, $0x1;
	[dreg:$0x2] =	wrdreg s3  }
0xaf: {  	[dreg:$0x3] =	wrdreg s5  }
0xb0: {  	[dreg:$0x4] =	wrdreg $0xC0  }
0xb1: {  	_ =	task [dreg:s7], $0x5FFFF  }
0xb2: {  	[dreg:$0x1] =	wrdreg $0xFFFFFFFF  }
0xb3: {  	[dreg:$0x0] =	wrdreg $0x60  }
0xb4: {  	[dreg:$0x2] =	wrdreg s24  }
0xb5: {  	[dreg:$0x3] =	wrdreg s16  }
0xb6: {  	[dreg:$0x4] =	wrdreg $0x9  }
0xb7: {  	_ =	task.clear_ibuf [dreg:s7], $0x5FFFF;
	_ =	strace $0x90000046  }
0xb8: {  	s29 =	simm.s32 $0x9;
	_ =	strace $0x80000048  }
0xb9: {  	_ =	swait.ge [sflag:s29], $0x1  }
0xba: {  	[sflag:s29] =	ssyncadd.s32 $0xFFFFFFFF  }
0xbb: {  	_ =	strace $0x90000048  }
0xbc: {  	_ =	sfence  }
0xbd: {  	s30 =	sld [smem:$0x0];
	_ =	sdelay $0x2  }
0xbe: {  	s31 =	sshll.u32 s1, $0xD;
	s1 =	sshrl.u32 s1, $0x2  }
0xbf: {  	s3 =	sand.u32 $0x4000, s31;
	s1 =	sadd.s32 s1, s30  }
0xc0: {  	s0 =	sor.u32 s3, s0;
	s1 =	sshll.u32 s1, $0x11  }
0xc1: {  	s0 =	sor.u32 s1, s0  }
0xc2: {  	s0 =	sadd.s32 $0x8F2B, s0  }
0xc3: {  	[sflag:s0] =	ssyncadd.remote.s32 $0x1  }
0xc4: {  	_ =	sfence.sel $0xFFFF  }
0xc5: {  	[dreg:$0x0] =	wrdreg $0xFFFFFFFF;
	(pc) =	sbr.abs _section_cstart, $3  }
0xc6: {  	[dreg:$0x1] =	wrdreg $0xFFFFFFFF  }
0xc7: {  	_ =	task.clear_ibuf [dreg:s7], $0x2FFFF;
	_ =	strace $0x9FFFFFFF  }
0xc8: {  	(tm) =	ssettm $0x7FFFFFFF  }
0xc9: {  	_ =	shalt  }
tec
execute0_lowered:
.L_overlay_start_1:
0x0: {  	(tag) =	ssettag $0x1  }
0x1: {  	v0 =	vimm.s32 $0xFEDCBA98;
	v1 =	vimm.s32 $0x76543210;
	v2 =	vimm.s32 $0xBA98FEDC  }
0x2: {  	v3 =	vimm.s32 $0x32107654;
	v4 =	vimm.s32 $0xDCFE98BA;
	v5 =	vimm.s32 $0x54761032  }
0x3: {  	v6 =	vimm.s32 $0xEFCDAB89;
	v7 =	vimm.s32 $0x67452301;
	v0 =	vunpack.c.l.s4.s8 v0  }
0x4: {  	s3 =	rddreg [dreg:$0x0];
	v1 =	vunpack.c.l.s4.s8 v1;
	v2 =	vunpack.c.l.s4.s8 v2;
	v3 =	vunpack.c.l.s4.s8 v3  }
0x5: {  	s4 =	rddreg [dreg:$0x1];
	v4 =	vunpack.c.l.s4.s8 v4;
	v5 =	vunpack.c.l.s4.s8 v5;
	v0 =	vunpack.c.0.s8.s32 v0  }
0x6: {  	s0 =	rddreg [dreg:$0x2];
	s5 =	srdreg.scid;
	v6 =	vunpack.c.l.s4.s8 v6;
	v2 =	vunpack.c.0.s8.s32 v2;
	v3 =	vunpack.c.0.s8.s32 v3  }
0x7: {  	s2 =	simm.s32 $0x0;
	s1 =	stileid.u32;
	s9 =	simm.s32 $0x400;
	v7 =	vunpack.c.l.s4.s8 v7;
	v1 =	vunpack.c.0.s8.s32 v1;
	v0 =	vand.u32 $0xF, v0  }
0x8: {  	s5 =	sand.u32 $0x1, s5;
	s6 =	sshll.u32 s1, $0x7;
	[smem:$0x7FF] =	sst s2;
	v3 =	vcombine.low v3, v2;
	v2 =	vunpack.c.0.s8.s32 v4;
	v4 =	vunpack.c.0.s8.s32 v5  }
0x9: {  	s31 =	sshll.u32 s1, $0x1;
	s7 =	sshll.u32 s5, $0x6;
	s8 =	ssub.s32 $0x2, s5;
	v5 =	vunpack.c.0.s8.s32 v6;
	v6 =	vunpack.c.0.s8.s32 v7;
	v0 =	vcombine.low v0, v1  }
0xa: {  	_ =	strace $0x80000047;
	s5 =	sadd.s32 s4, s5;
	s6 =	sor.u32 s7, s6;
	v1 =	vlaneseq.u32;
	v4 =	vcombine.low v4, v2  }
0xb: {  	vm1 =	vmmov $0x1;
	s30 =	sshrl.u32 s8, $0x1;
	s5 =	sadd.s32 s31, s5;
	s6 =	sadd.s32 s6, s3;
	v5 =	vcombine.low v6, v5;
	v2 =	vperm.xlane v1, v0  }
0xc: {  	vm7 =	vcmask $0x1720;
	vm8 =	vcmask $0x1B20;
	s7 =	ssub.s32 s8, s30;
	s8 =	simm.s32 $0x200;
	s3 =	sadd.s32 $0x1400, s6;
	v3 =	vand.u32 $0xF, v3  }
0xd: {  	s4 =	sadd.s32 $0x1C00, s6;
	s6 =	smax.u32 s7, $0x1;
	s7 =	simm.s32 $0x1;
	v4 =	vand.u32 $0xF, v4;
	v5 =	vand.u32 $0xF, v5;
	vm0 =	vlt.s32 v2, v1  }
.LBB2_1:
0xe: {  	[tilespmem:s2], [sflag:$0x1] =	stream.linear.gather [hbm4b:s3+s2], $0x200, $0x38;
	[tilespmem:$0x480] =	vst v63  }
0xf: {  	_ =	swait.ge [sflag:s7], $0x200  }
0x10: {  	[sflag:s7] =	ssyncset.done $0x0  }
0x11: {  	[sflag:s7] =	ssyncadd.s32 $0xFFFFFE00  }
0x12: {  	v7 =	vld [tilespmem:$0x0];
	_ =	sdelay $0x4  }
0x13: {  	v6 =	vperm.xlane v7, v0;
	_ =	sdelay $0x1  }
0x14: {  	vm2 =	veq.f32 v6, v7  }
0x15: {  	vm3 =	vgt.f32 v6, v7;
	vm2 =	vmand vm2, vm0  }
0x16: {  	vm2 =	vmor vm3, vm2  }
0x17: {  	v6 =	vsel vm2, v6, v7;
	v8 =	vsel vm2, v2, v1  }
0x18: {  	v9 =	vperm.xlane v6, v3;
	v10 =	vperm.xlane v8, v3;
	_ =	sdelay $0x1  }
0x19: {  	vm2 =	veq.f32 v9, v6;
	vm3 =	vlt.s32 v10, v8  }
0x1a: {  	vm9 =	vgt.f32 v9, v6;
	vm2 =	vmand vm2, vm3  }
0x1b: {  	vm2 =	vmor vm9, vm2  }
0x1c: {  	v6 =	vsel vm2, v9, v6;
	v8 =	vsel vm2, v10, v8  }
0x1d: {  	v9 =	vperm.xlane v6, v4;
	v10 =	vperm.xlane v8, v4;
	_ =	sdelay $0x1  }
0x1e: {  	vm2 =	veq.f32 v9, v6;
	vm3 =	vlt.s32 v10, v8  }
0x1f: {  	vm9 =	vgt.f32 v9, v6;
	vm2 =	vmand vm2, vm3  }
0x20: {  	vm2 =	vmor vm9, vm2  }
0x21: {  	v12 =	vld [tilespmem:$0x80];
	v11 =	vsel vm2, v9, v6;
	v6 =	vsel vm2, v10, v8  }
0x22: {  	v35 =	vperm.xlane v11, v5;
	v8 =	vperm.xlane v6, v5;
	_ =	sdelay $0x1  }
0x23: {  	vm2 =	veq.f32 v35, v11;
	vm3 =	vlt.s32 v8, v6  }
0x24: {  	vm9 =	vgt.f32 v35, v11;
	vm2 =	vmand vm2, vm3  }
0x25: {  	v36 =	vperm.xlane v12, v0;
	vm12 =	vmor vm9, vm2  }
0x26: {  	v6 =	vsel vm12, v8, v6  }
0x27: {  	vm2 =	veq.f32 v36, v12;
	vm9 =	veq.s32 v6, v1  }
0x28: {  	vm3 =	vgt.f32 v36, v12;
	vm2 =	vmand vm0, vm2;
	v7 =	vsel vm9, $0xFF800000, v7  }
0x29: {  	vm2 =	vmor vm3, vm2;
	v37 =	vperm.xlane v7, v0  }
0x2a: {  	v13 =	vsel vm2, v2, v1  }
0x2b: {  	v8 =	vsel vm2, v36, v12;
	v15 =	vperm.xlane v13, v3;
	vm11 =	veq.f32 v37, v7  }
0x2c: {  	v14 =	vperm.xlane v8, v3;
	vm10 =	vgt.f32 v37, v7;
	vm3 =	vmand vm0, vm11  }
0x2d: {  	vm2 =	vmor vm10, vm3;
	vm3 =	vlt.s32 v15, v13  }
0x2e: {  	v7 =	vsel vm2, v37, v7;
	v38 =	vsel vm2, v2, v1;
	vm2 =	veq.f32 v14, v8  }
0x2f: {  	vm10 =	vgt.f32 v14, v8;
	v16 =	vperm.xlane v7, v3;
	vm2 =	vmand vm2, vm3  }
0x30: {  	v17 =	vperm.xlane v38, v3;
	vm2 =	vmor vm10, vm2  }
0x31: {  	vm3 =	veq.f32 v16, v7;
	v8 =	vsel vm2, v14, v8;
	v13 =	vsel vm2, v15, v13  }
0x32: {  	vm2 =	vlt.s32 v17, v38;
	v14 =	vperm.xlane v8, v4;
	v15 =	vperm.xlane v13, v4  }
0x33: {  	vm10 =	vgt.f32 v16, v7;
	vm2 =	vmand vm3, vm2  }
0x34: {  	vm2 =	vmor vm10, vm2;
	vm3 =	veq.f32 v14, v8;
	vm10 =	vlt.s32 v15, v13  }
0x35: {  	v7 =	vsel vm2, v16, v7;
	vm11 =	vgt.f32 v14, v8;
	vm3 =	vmand vm3, vm10  }
0x36: {  	v9 =	vsel vm2, v17, v38;
	v16 =	vperm.xlane v7, v4;
	vm2 =	vmor vm11, vm3  }
0x37: {  	v17 =	vperm.xlane v9, v4;
	v14 =	vsel vm2, v14, v8;
	v13 =	vsel vm2, v15, v13  }
0x38: {  	v39 =	vperm.xlane v14, v5;
	v18 =	vperm.xlane v13, v5  }
0x39: {  	vm2 =	vgt.f32 v16, v7;
	vm3 =	veq.f32 v16, v7  }
0x3a: {  	vm10 =	vlt.s32 v17, v9;
	vm11 =	veq.f32 v39, v14;
	vm13 =	vlt.s32 v18, v13  }
0x3b: {  	vm3 =	vmand vm3, vm10;
	vm10 =	vgt.f32 v39, v14;
	vm11 =	vmand vm11, vm13  }
0x3c: {  	vm3 =	vmor vm2, vm3;
	vm2 =	vmor vm10, vm11  }
0x3d: {  	v16 =	vsel vm3, v16, v7;
	v8 =	vsel vm3, v17, v9;
	v7 =	vsel vm2, v18, v13  }
0x3e: {  	v41 =	vld [tilespmem:$0x100];
	v40 =	vperm.xlane v16, v5;
	v9 =	vperm.xlane v8, v5;
	vm10 =	veq.s32 v7, v1  }
0x3f: {  	v22 =	vld [tilespmem:$0x180];
	v12 =	vsel vm10, $0xFF800000, v12  }
0x40: {  	vm3 =	veq.f32 v40, v16;
	vm11 =	vlt.s32 v9, v8;
	v42 =	vperm.xlane v12, v0  }
0x41: {  	vm13 =	vgt.f32 v40, v16;
	vm3 =	vmand vm3, vm11  }
0x42: {  	vm11 =	vmor vm13, vm3;
	vm3 =	veq.f32 v42, v12  }
0x43: {  	v19 =	vperm.xlane v41, v0;
	vm13 =	vgt.f32 v42, v12;
	vm3 =	vmand vm0, vm3  }
0x44: {  	v52 =	vperm.xlane v22, v0;
	v10 =	vsel vm12, v35, v11;
	vm3 =	vmor vm13, vm3  }
0x45: {  	v12 =	vsel vm3, v42, v12;
	v44 =	vsel vm3, v2, v1;
	vm3 =	veq.f32 v19, v41  }
0x46: {  	vm12 =	vgt.f32 v19, v41;
	v45 =	vperm.xlane v12, v3;
	vm3 =	vmand vm0, vm3  }
0x47: {  	v14 =	vsel vm2, v39, v14;
	v46 =	vperm.xlane v44, v3;
	vm3 =	vmor vm12, vm3  }
0x48: {  	v43 =	vsel vm11, v40, v16;
	vm12 =	veq.f32 v45, v12;
	v47 =	vsel vm3, v19, v41  }
0x49: {  	v48 =	vsel vm3, v2, v1;
	vm3 =	vlt.s32 v46, v44;
	v20 =	vperm.xlane v47, v3  }
0x4a: {  	vm13 =	vgt.f32 v45, v12;
	v21 =	vperm.xlane v48, v3;
	vm3 =	vmand vm12, vm3  }
0x4b: {  	v10 =	vsub.f32 v43, v10;
	vm3 =	vmor vm13, vm3;
	vm12 =	veq.f32 v20, v47  }
0x4c: {  	vm13 =	vlt.s32 v21, v48;
	v12 =	vsel vm3, v45, v12;
	vm14 =	vgt.f32 v20, v47  }
0x4d: {  	v11 =	vsel vm3, v46, v44;
	vm12 =	vmand vm12, vm13;
	v49 =	vperm.xlane v12, v4  }
0x4e: {  	v10 =	vmul.f32 $1.442695020e+00, v10;
	v50 =	vperm.xlane v11, v4;
	vm3 =	vmor vm14, vm12  }
0x4f: {  	v18 =	vsel vm3, v20, v47;
	v19 =	vsel vm3, v21, v48;
	vm12 =	veq.f32 v49, v12  }
0x50: {  	vm13 =	vlt.s32 v50, v11;
	v20 =	vperm.xlane v18, v4;
	v21 =	vperm.xlane v19, v4  }
0x51: {  	(erf) = vpow2.f32 v10;
	vm3 =	vgt.f32 v49, v12;
	vm12 =	vmand vm12, vm13  }
0x52: {  	vm2 =	vmor vm3, vm12;
	vm14 =	veq.f32 v20, v18;
	vm15 =	vlt.s32 v21, v19  }
0x53: {  	vm12 =	vgt.f32 v52, v22;
	vm13 =	vgt.f32 v20, v18;
	vm14 =	vmand vm14, vm15  }
0x54: {  	v13 =	vsel vm2, v49, v12;
	v10 =	vsel vm2, v50, v11;
	vm3 =	vmor vm13, vm14  }
0x55: {  	vm2 =	veq.f32 v52, v22;
	v51 =	vsel vm3, v20, v18;
	v53 =	vsel vm3, v21, v19  }
0x56: {  	vm2 =	vmand vm0, vm2;
	v54 =	vperm.xlane v51, v5;
	v19 =	vperm.xlane v53, v5  }
0x57: {  	v55 =	vperm.xlane v13, v5;
	vm2 =	vmor vm12, vm2  }
0x58: {  	v56 =	vsel vm2, v52, v22;
	vm13 =	veq.f32 v54, v51;
	vm14 =	vlt.s32 v19, v53  }
0x59: {  	v57 =	vsel vm2, v2, v1;
	vm3 =	vgt.f32 v54, v51;
	vm12 =	vmand vm13, vm14  }
0x5a: {  	v23 =	vperm.xlane v56, v3;
	v24 =	vperm.xlane v57, v3;
	vm15 =	vmor vm3, vm12  }
0x5b: {  	v58 =	vperm.xlane v10, v5;
	vm2 =	vgt.f32 v55, v13;
	v11 =	vsel vm15, v19, v53  }
0x5c: {  	vm13 =	vlt.s32 v24, v57;
	vm3 =	veq.f32 v23, v56;
	vm12 =	veq.s32 v11, v1  }
0x5d: {  	vm14 =	vgt.f32 v23, v56;
	vm3 =	vmand vm3, vm13;
	v17 =	vsel vm12, $0xFF800000, v41  }
0x5e: {  	vm13 =	veq.f32 v55, v13;
	vm3 =	vmor vm14, vm3;
	v59 =	vperm.xlane v17, v0  }
0x5f: {  	vm14 =	vlt.s32 v58, v10;
	v20 =	vsel vm3, v23, v56;
	v21 =	vsel vm3, v24, v57  }
0x60: {  	v23 =	vperm.xlane v20, v4;
	v24 =	vperm.xlane v21, v4;
	vm3 =	veq.f32 v59, v17  }
0x61: {  	vm13 =	vmand vm13, vm14;
	vm14 =	vgt.f32 v59, v17;
	vm3 =	vmand vm0, vm3  }
0x62: {  	vm4 =	vlt.s32 v24, v21;
	vm3 =	vmor vm14, vm3;
	vm14 =	veq.f32 v23, v20  }
0x63: {  	vm5 =	vgt.f32 v23, v20;
	v17 =	vsel vm3, v59, v17;
	vm4 =	vmand vm14, vm4  }
0x64: {  	v60 =	vsel vm3, v2, v1;
	v25 =	vperm.xlane v17, v3;
	vm3 =	vmor vm5, vm4  }
0x65: {  	v26 =	vperm.xlane v60, v3;
	v20 =	vsel vm3, v23, v20;
	v21 =	vsel vm3, v24, v21  }
0x66: {  	vm14 =	vmor vm2, vm13;
	v23 =	vperm.xlane v20, v5;
	v24 =	vperm.xlane v21, v5  }
0x67: {  	v13 =	vsel vm14, v55, v13;
	vm2 =	vgt.f32 v25, v17;
	vm3 =	veq.f32 v25, v17  }
0x68: {  	vm4 =	vlt.s32 v26, v60;
	vm5 =	veq.f32 v23, v20;
	vm13 =	vlt.s32 v24, v21  }
0x69: {  	vm3 =	vmand vm3, vm4;
	vm4 =	vgt.f32 v23, v20;
	vm5 =	vmand vm5, vm13  }
0x6a: {  	v13 =	vsub.f32 v13, v14;
	vm3 =	vmor vm2, vm3;
	vm2 =	vmor vm4, vm5  }
0x6b: {  	v61 =	vsel vm3, v25, v17;
	v62 =	vsel vm3, v26, v60;
	v18 =	vsel vm2, v24, v21  }
0x6c: {  	v63 =	vpop (erf);
	v28 =	vperm.xlane v61, v4;
	v29 =	vperm.xlane v62, v4;
	vm13 =	veq.s32 v18, v1  }
0x6d: {  	v30 =	vadd.f32 $1.000000000e+00, v63;
	v13 =	vmul.f32 $1.442695020e+00, v13;
	v22 =	vsel vm13, $0xFF800000, v22  }
0x6e: {  	vm3 =	veq.f32 v28, v61;
	vm4 =	vlt.s32 v29, v62;
	v31 =	vperm.xlane v22, v0  }
0x6f: {  	(erf) = vrcp.f32 v30;
	vm5 =	vgt.f32 v28, v61;
	vm3 =	vmand vm3, vm4  }
0x70: {  	(erf) = vpow2.f32 v13;
	vm3 =	vmor vm5, vm3;
	vm4 =	veq.f32 v31, v22  }
0x71: {  	v32 =	vsel vm3, v28, v61;
	vm5 =	vgt.f32 v31, v22;
	vm4 =	vmand vm0, vm4  }
0x72: {  	v33 =	vsel vm3, v29, v62;
	v34 =	vperm.xlane v32, v5;
	vm3 =	vmor vm5, vm4  }
0x73: {  	v35 =	vperm.xlane v33, v5;
	v22 =	vsel vm3, v31, v22;
	v36 =	vsel vm3, v2, v1  }
0x74: {  	v37 =	vperm.xlane v22, v3;
	v38 =	vperm.xlane v36, v3  }
0x75: {  	vm4 =	veq.f32 v34, v32;
	vm5 =	vlt.s32 v35, v33;
	vm3 =	vgt.f32 v34, v32  }
0x76: {  	vm4 =	vmand vm4, vm5;
	vm5 =	veq.f32 v37, v22;
	vm6 =	vlt.s32 v38, v36  }
0x77: {  	vm3 =	vmor vm3, vm4;
	vm4 =	vmand vm5, vm6;
	vm5 =	vgt.f32 v37, v22  }
0x78: {  	v15 =	vsel vm15, v54, v51;
	v39 =	vpop (erf);
	v13 =	vsel vm3, v34, v32;
	vm4 =	vmor vm5, vm4  }
0x79: {  	v40 =	vpop (erf);
	v13 =	vsub.f32 v13, v15;
	v41 =	vsel vm4, v37, v22;
	v42 =	vsel vm4, v38, v36  }
0x7a: {  	v43 =	vadd.f32 $1.000000000e+00, v40;
	v25 =	vperm.xlane v41, v4;
	v26 =	vperm.xlane v42, v4  }
0x7b: {  	v13 =	vmul.f32 $1.442695020e+00, v13  }
0x7c: {  	(erf) = vrcp.f32 v43;
	vm4 =	veq.f32 v25, v41;
	vm5 =	vlt.s32 v26, v42  }
0x7d: {  	(erf) = vpow2.f32 v13;
	vm4 =	vmand vm4, vm5;
	vm5 =	vgt.f32 v25, v41  }
0x7e: {  	vm4 =	vmor vm5, vm4  }
0x7f: {  	v44 =	vsel vm4, v25, v41;
	v45 =	vsel vm4, v26, v42  }
0x80: {  	v46 =	vperm.xlane v44, v5;
	v47 =	vperm.xlane v45, v5;
	_ =	sdelay $0x1  }
0x81: {  	vm4 =	veq.f32 v46, v44;
	vm5 =	vlt.s32 v47, v45  }
0x82: {  	vm4 =	vmand vm4, vm5;
	vm5 =	vgt.f32 v46, v44  }
0x83: {  	vm4 =	vmor vm5, vm4  }
0x84: {  	v20 =	vsel vm2, v23, v20;
	v48 =	vpop (erf);
	v13 =	vsel vm4, v46, v44  }
0x85: {  	v49 =	vpop (erf);
	v13 =	vsub.f32 v13, v20  }
0x86: {  	v50 =	vadd.f32 $1.000000000e+00, v49  }
0x87: {  	v13 =	vmul.f32 $1.442695020e+00, v13  }
0x88: {  	(erf) = vrcp.f32 v50  }
0x89: {  	(erf) = vpow2.f32 v13;
	_ =	sdelay $0x7  }
0x8a: {  	v51 =	vpop (erf)  }
0x8b: {  	v52 =	vpop (erf)  }
0x8c: {  	v53 =	vadd.f32 $1.000000000e+00, v52;
	_ =	sdelay $0x1  }
0x8d: {  	(erf) = vrcp.f32 v53  }
0x8e: {  	v8 =	vsel vm11, v9, v8;
	v55 =	vmul.f32 v39, v63  }
0x8f: {  	v6 =	vnsel vm1, $0x0, v6;
	vm2 =	veq.s32 v8, v1  }
0x90: {  	v54 =	vsel vm14, v58, v10;
	v10 =	vnsel vm2, $0x0, v55;
	vm2 =	vcmask $0x320  }
0x91: {  	v6 =	vsel vm2, v6, v8;
	vm2 =	vcmask $0x720  }
0x92: {  	v57 =	vsel vm9, v39, v10;
	v6 =	vsel vm2, v6, v7;
	vm2 =	vcmask $0xB20  }
0x93: {  	v6 =	vsel vm2, v6, v54;
	v7 =	vsel vm3, v35, v33;
	vm3 =	vcmask $0xF20  }
0x94: {  	v6 =	vsel vm3, v6, v11;
	vm3 =	vcmask $0x1320;
	v56 =	vmul.f32 v48, v40  }
0x95: {  	vm2 =	veq.s32 v7, v1;
	v6 =	vsel vm3, v6, v7;
	vm5 =	veq.s32 v54, v1  }
0x96: {  	v6 =	vsel vm7, v6, v18;
	v12 =	vnsel vm5, $0x0, v56;
	v59 =	vmul.f32 v51, v49;
	v60 =	vpop (erf)  }
0x97: {  	[tilespmem:$0x200] =	vst v57;
	v61 =	vsel vm4, v47, v45;
	v58 =	vsel vm10, v48, v12;
	v62 =	vmul.f32 v60, v52  }
0x98: {  	v6 =	vsel vm8, v6, v61;
	[tilespmem:$0x280] =	vst v58;
	v63 =	vnsel vm2, $0x0, v59;
	vm2 =	veq.s32 v61, v1  }
0x99: {  	[tilespmem:$0x400] =	vst v6;
	v8 =	vsel vm12, v51, v63;
	v7 =	vnsel vm2, $0x0, v62  }
0x9a: {  	[tilespmem:$0x300] =	vst v8;
	v7 =	vsel vm13, v60, v7  }
0x9b: {  	[tilespmem:$0x380] =	vst v7  }
0x9c: {  	[hbm4b:s4+s2] =	stream.linear.scatter [tilespmem:s8], [sflag:$0x1], $0x200, $0x38;
	[tilespmem:$0x480] =	vst v63  }
0x9d: {  	_ =	swait.ge [sflag:s7], $0x200  }
0x9e: {  	p0 =	sne.s32 s6, $0x1;
	[sflag:s7] =	ssyncset.done $0x0  }
.Ltmp0:
0x9f: {  	[sflag:s7] =	ssyncadd.s32 $0xFFFFFE00;
	(pc) =	sbr.rel @p0 .LBB2_1-.Ltmp0, $4  }
0xa0: {  	[hbm4b:s5+s2] =	stream.linear.scatter [tilespmem:s9], [sflag:$0x1], $0x8, $0x38;
	[tilespmem:$0x480] =	vst v63  }
0xa1: {  	_ =	swait.ge [sflag:s7], $0x8  }
0xa2: {  	[sflag:s7] =	ssyncset.done $0x0  }
0xa3: {  	s6 =	sadd.s32 $0xFFFFFFFF, s6;
	[sflag:s7] =	ssyncadd.s32 $0xFFFFFFF8  }
0xa4: {  	_ =	sfence.sel $0x180000  }
0xa5: {  	[bflag:$0x0] =	sbarrier.arrive $0xFFFF  }
0xa6: {  	p0 =	sne.s32 s1, $0x0;
	_ =	strace $0x90000047  }
0xa7: {  	s0 =	sadd.s32 @!p0 $0x100000, s0;
	[bflag:$0x2] =	sbarrier.arrive $0xFFFF  }
0xa8: {  	[sflag:s0] =	ssyncadd.tile.s32 @!p0 $0x1;
	_ =	shalt  }
.Lfunc_end2:
_tile_overlayer_lowered:
.L_overlay_start_2:
0xa9: {  	(tag) =	ssettag $0x2  }
0xaa: {  	s0 =	rddreg [dreg:$0x0];
	s2 =	stileid.u32  }
0xab: {  	s1 =	rddreg [dreg:$0x1];
	p0 =	sne.s32 s2, $0x0  }
0xac: {  	s3 =	rddreg [dreg:$0x2];
	[bflag:$0x3] =	sbarrier.arrive $0xFFFF;
	s2 =	simm.s32 @!p0 $0x1C01  }
0xad: {  	[timem:s3], [sflag:s2] =	dma.local @!p0 [hbm:s0], s1  }
0xae: {  	s0 =	simm.s32 @!p0 $0x1  }
0xaf: {  	_ =	swait.ge @!p0 [sflag:s0], s1  }
0xb0: {  	s1 =	ssub.s32 @!p0 $0x0, s1;
	[sflag:s0] =	ssyncset.done @!p0 $0x0  }
0xb1: {  	[sflag:s0] =	ssyncadd.s32 @!p0 s1  }
0xb2: {  	[bflag:$0x3] =	sbarrier.arrive $0xFFFF  }
0xb3: {  	_ =	shalt  }

</sc_bundles>
